<compile_context>
chip_gen: v7x
topology: tpu7x:2x2x1
jax: 0.10.2.dev20260603
libtpu: 0.0.44.dev20260713+nightly
codegen_flags: <defaults>
</compile_context>

<pallas_src>
import jax
import jax.numpy as jnp
from jax import lax
from jax.experimental import pallas as pl
from jax.experimental.pallas import tpu as pltpu
from jax.experimental.pallas import tpu_sc as plsc

N = 10000
C = 128
S = 4
K = 16
NPAD = 10240
BKN = 512
BIG = 1e30

NW = 32
NODES_PER_W = NPAD // NW
GCH = 8
NCHUNK = NODES_PER_W // GCH


def _coords_body(xbf_ref, wst_ref, s_ref, sq_ref):
    s = jnp.dot(xbf_ref[...], wst_ref[...], preferred_element_type=jnp.float32)
    s_ref[...] = s
    sq_ref[...] = jnp.sum(s * s, axis=1, keepdims=True)


def _stage_coords(xbf, wstbf):
    return pl.pallas_call(
        _coords_body,
        out_shape=[
            jax.ShapeDtypeStruct((NPAD, 8), jnp.float32),
            jax.ShapeDtypeStruct((NPAD, 1), jnp.float32),
        ],
    )(xbf, wstbf)


def _knn_body(xbf_ref, wht_ref, bh_ref, sbf_ref, sbft_ref, sq_ref, sqrow_ref,
              h_ref, nbr_ref, d2_ref):
    i = pl.program_id(0)
    h_ref[...] = (jnp.dot(xbf_ref[...], wht_ref[...],
                          preferred_element_type=jnp.float32) + bh_ref[...])

    sbf_c = sbf_ref[pl.ds(i * BKN, BKN), :]
    mm = jnp.dot(sbf_c, sbft_ref[...], preferred_element_type=jnp.float32)
    a = sq_ref[pl.ds(i * BKN, BKN), :] + sqrow_ref[...]
    d2 = a - 2.0 * mm
    ci = lax.broadcasted_iota(jnp.int32, (BKN, NPAD), 1)
    d2_ref[...] = jnp.where(ci >= N, BIG, d2)

    ki = lax.broadcasted_iota(jnp.int32, (BKN, K), 1)

    def it(k, nbr):
        d2v = d2_ref[...]
        m = jnp.min(d2v, axis=1, keepdims=True)
        idx = jnp.min(jnp.where(d2v <= m, ci, NPAD), axis=1, keepdims=True)
        d2_ref[...] = jnp.where(ci == idx, BIG, d2v)
        return jnp.where(ki == k, jnp.broadcast_to(idx, (BKN, K)), nbr)

    nbr_ref[...] = lax.fori_loop(0, K, it, jnp.zeros((BKN, K), jnp.int32))


def _stage_knn(xbf, whtbf, bh2, sbf, sbft, sq_col, sqrow):
    grid = NPAD // BKN
    return pl.pallas_call(
        _knn_body,
        grid=(grid,),
        in_specs=[
            pl.BlockSpec((BKN, C), lambda i: (i, 0)),
            pl.BlockSpec((C, C), lambda i: (0, 0)),
            pl.BlockSpec((1, C), lambda i: (0, 0)),
            pl.BlockSpec((NPAD, 8), lambda i: (0, 0)),
            pl.BlockSpec((8, NPAD), lambda i: (0, 0)),
            pl.BlockSpec((NPAD, 1), lambda i: (0, 0)),
            pl.BlockSpec((1, NPAD), lambda i: (0, 0)),
        ],
        out_specs=[
            pl.BlockSpec((BKN, C), lambda i: (i, 0)),
            pl.BlockSpec((BKN, K), lambda i: (i, 0)),
        ],
        out_shape=[
            jax.ShapeDtypeStruct((NPAD, C), jnp.float32),
            jax.ShapeDtypeStruct((NPAD, K), jnp.int32),
        ],
        scratch_shapes=[pltpu.VMEM((BKN, NPAD), jnp.float32)],
    )(xbf, whtbf, bh2, sbf, sbft, sq_col, sqrow)


def _sc_body(nbr_hbm, s_hbm, h_hbm, mean_hbm, max_hbm,
             idx_v, s_v, rows_v, w_v, om_v, ox_v, sem):
    wid = lax.axis_index("s") * 2 + lax.axis_index("c")
    node0 = wid * NODES_PER_W
    pltpu.sync_copy(s_hbm, s_v)

    def chunk_body(cc, carry):
        nodebase = node0 + cc * GCH
        rowbase = nodebase * K
        pltpu.sync_copy(nbr_hbm.at[pl.ds(rowbase, GCH * K)], idx_v)
        cp = pltpu.async_copy(h_hbm.at[idx_v], rows_v, sem)
        cp.wait()

        def w_body(n, carry2):
            node = nodebase + n
            rbase = n * K
            idx16 = idx_v[pl.ds(rbase, K)]
            selfv = jnp.full((K,), 0, jnp.int32) + node
            acc = jnp.zeros((K,), jnp.float32)
            for c in range(S):
                ga = plsc.load_gather(s_v, [idx16 * 8 + c])
                gb = plsc.load_gather(s_v, [selfv * 8 + c])
                dcol = ga - gb
                acc = acc + dcol * dcol
            w_v[pl.ds(rbase, K)] = jnp.exp(-(acc + 1e-6))
            return carry2

        lax.fori_loop(0, GCH, w_body, 0)

        def node_body(n, carry2):
            rbase = n * K
            wsp = [plsc.load_gather(w_v, [jnp.full((K,), rbase + kk, jnp.int32)])
                   for kk in range(K)]
            for j in range(C // 16):
                t = wsp[0] * rows_v[rbase, pl.ds(j * 16, 16)]
                accm = t
                accx = t
                for kk in range(1, K):
                    t = wsp[kk] * rows_v[rbase + kk, pl.ds(j * 16, 16)]
                    accm = accm + t
                    accx = jnp.maximum(accx, t)
                om_v[pl.ds(n * C + j * 16, 16)] = accm * jnp.float32(1.0 / K)
                ox_v[pl.ds(n * C + j * 16, 16)] = accx
            return carry2

        lax.fori_loop(0, GCH, node_body, 0)
        pltpu.sync_copy(om_v, mean_hbm.at[pl.ds(nodebase * C, GCH * C)])
        pltpu.sync_copy(ox_v, max_hbm.at[pl.ds(nodebase * C, GCH * C)])
        return carry

    lax.fori_loop(0, NCHUNK, chunk_body, 0)


def _stage_gather(nbr_flat, s_flat, h_pad):
    mesh = plsc.VectorSubcoreMesh(core_axis_name="c", subcore_axis_name="s")
    f = pl.kernel(
        _sc_body,
        out_type=[
            jax.ShapeDtypeStruct((NPAD * C,), jnp.float32),
            jax.ShapeDtypeStruct((NPAD * C,), jnp.float32),
        ],
        mesh=mesh,
        compiler_params=pltpu.CompilerParams(needs_layout_passes=False),
        scratch_types=[
            pltpu.VMEM((GCH * K,), jnp.int32),
            pltpu.VMEM((NPAD * 8,), jnp.float32),
            pltpu.VMEM((GCH * K, C), jnp.float32),
            pltpu.VMEM((GCH * K,), jnp.float32),
            pltpu.VMEM((GCH * C,), jnp.float32),
            pltpu.VMEM((GCH * C,), jnp.float32),
            pltpu.SemaphoreType.DMA,
        ],
    )
    return f(nbr_flat, s_flat, h_pad)


def _tail_body(mean_ref, max_ref, x_ref, wlt_ref, blin_ref, wp1t_ref, bp1_ref,
               wp2t_ref, bp2_ref, g2_ref, b2_ref, g3_ref, b3_ref, out_ref):
    bf = jnp.bfloat16
    x = x_ref[...]
    xgn = (jnp.dot(mean_ref[...].astype(bf), wlt_ref[0:C, :],
                   preferred_element_type=jnp.float32)
           + jnp.dot(max_ref[...].astype(bf), wlt_ref[C:2 * C, :],
                     preferred_element_type=jnp.float32)
           + jnp.dot(x.astype(bf), wlt_ref[2 * C:3 * C, :],
                     preferred_element_type=jnp.float32)
           + blin_ref[...])
    x1 = xgn + x
    mu = jnp.mean(x1, axis=0, keepdims=True)
    var = jnp.mean((x1 - mu) ** 2, axis=0, keepdims=True)
    xh = (x1 - mu) * lax.rsqrt(var + 1e-5) * g2_ref[...] + b2_ref[...]
    z = (jnp.dot(xh.astype(bf), wp1t_ref[...],
                 preferred_element_type=jnp.float32) + bp1_ref[...])
    e = jnp.where(z > 0, z, jnp.exp(z) - 1.0)
    y = (jnp.dot(e.astype(bf), wp2t_ref[...],
                 preferred_element_type=jnp.float32) + bp2_ref[...])
    x2 = xh + y
    mu2 = jnp.mean(x2, axis=0, keepdims=True)
    var2 = jnp.mean((x2 - mu2) ** 2, axis=0, keepdims=True)
    out_ref[...] = ((x2 - mu2) * lax.rsqrt(var2 + 1e-5) * g3_ref[...]
                    + b3_ref[...])


def _stage_tail(mean_, max_, x, wltbf, blin2, wp1tbf, bp1_2, wp2tbf, bp2_2,
                g2, b2, g3, b3):
    return pl.pallas_call(
        _tail_body,
        out_shape=jax.ShapeDtypeStruct((N, C), jnp.float32),
    )(mean_, max_, x, wltbf, blin2, wp1tbf, bp1_2, wp2tbf, bp2_2, g2, b2, g3, b3)


def kernel(x, batch, original_coords, Ws, Wh, bh, Wlin, blin, Wp1, bp1, Wp2,
           bp2, gamma2, beta2, gamma3, beta3, step_count, num_layer):
    bf = jnp.bfloat16
    xbf = jnp.pad(x, ((0, NPAD - N), (0, 0))).astype(bf)
    wstbf = jnp.pad(Ws.T, ((0, 0), (0, 8 - S))).astype(bf)
    s, sq_col = _stage_coords(xbf, wstbf)

    sbf = s.astype(bf)
    sbft = sbf.T
    sqrow = sq_col.reshape(1, NPAD)
    h, nbr = _stage_knn(xbf, Wh.T.astype(bf), bh.reshape(1, C),
                        sbf, sbft, sq_col, sqrow)

    mean_flat, max_flat = _stage_gather(nbr.reshape(-1), s.reshape(-1), h)
    mean_ = mean_flat.reshape(NPAD, C)[:N]
    max_ = max_flat.reshape(NPAD, C)[:N]

    return _stage_tail(
        mean_, max_, x, Wlin.T.astype(bf), blin.reshape(1, C),
        Wp1.T.astype(bf), bp1.reshape(1, C), Wp2.T.astype(bf),
        bp2.reshape(1, C), gamma2.reshape(1, C), beta2.reshape(1, C),
        gamma3.reshape(1, C), beta3.reshape(1, C))

# --- scband reference (transcript-rebuilt; emitter-appended) ---
"""Pipeline reference for scband-grav-net-block-35974646071517 (READ-ONLY COPY).

The authoritative reference and input builder live on the scoring server;
editing this copy changes nothing except your own understanding.
"""

import jax, jax.numpy as jnp
import numpy as np

N = 10000
C = 128
S = 4
K = 16
CHUNK = 1000


def setup_inputs(seed: int = 0) -> dict:
    key = jax.random.key(seed)
    ks = jax.random.split(key, 16)
    inp = {}
    inp['x'] = jax.random.normal(ks[0], (N, C), dtype=jnp.float32)
    inp['batch'] = jnp.zeros((N,), dtype=jnp.int32)
    inp['original_coords'] = jax.random.normal(ks[1], (N, 3), dtype=jnp.float32)
    # GravNetConv params (torch Linear convention: W[out, in])
    inp['Ws'] = jax.random.normal(ks[2], (S, C), dtype=jnp.float32) * 0.05  # lin_s, no bias
    inp['Wh'] = jax.random.normal(ks[3], (C, C), dtype=jnp.float32) * 0.05  # lin_h (prop dims == C in block)
    inp['bh'] = jax.random.normal(ks[4], (C,), dtype=jnp.float32) * 0.05
    inp['Wlin'] = jax.random.normal(ks[5], (C, 3 * C), dtype=jnp.float32) * 0.05  # lin: 2*prop + in -> out(=C)
    inp['blin'] = jax.random.normal(ks[6], (C,), dtype=jnp.float32) * 0.05
    # post_gravnet MLP
    inp['Wp1'] = jax.random.normal(ks[7], (C, C), dtype=jnp.float32) * 0.05
    inp['bp1'] = jax.random.normal(ks[8], (C,), dtype=jnp.float32) * 0.05
    inp['Wp2'] = jax.random.normal(ks[9], (C, C), dtype=jnp.float32) * 0.05
    inp['bp2'] = jax.random.normal(ks[10], (C,), dtype=jnp.float32) * 0.05
    # batchnorm affine params
    inp['gamma2'] = jnp.ones((C,), dtype=jnp.float32)
    inp['beta2'] = jnp.zeros((C,), dtype=jnp.float32)
    inp['gamma3'] = jnp.ones((C,), dtype=jnp.float32)
    inp['beta3'] = jnp.zeros((C,), dtype=jnp.float32)
    inp['step_count'] = 0
    inp['num_layer'] = 0
    return inp


def _knn_idx(s):
    # k nearest neighbors (including self) in learned space, chunked to bound memory
    sq = jnp.sum(s * s, axis=1)
    idxs = []
    for i in range(0, N, CHUNK):
        sc = s[i:i + CHUNK]
        d2 = sq[i:i + CHUNK][:, None] + sq[None, :] - 2.0 * (sc @ s.T)
        _, idx = jax.lax.top_k(-d2, K)
        idxs.append(idx)
    return jnp.concatenate(idxs, axis=0)  # [N, K] src indices per dst node


def _batchnorm(x, gamma, beta, eps=1e-5):
    mu = jnp.mean(x, axis=0)
    var = jnp.mean((x - mu) ** 2, axis=0)  # biased, as torch uses for normalization
    return (x - mu) / jnp.sqrt(var + eps) * gamma + beta


def reference(x, batch, original_coords, Ws, Wh, bh, Wlin, blin, Wp1, bp1, Wp2, bp2, gamma2, beta2, gamma3, beta3, step_count=0, num_layer=0):
    x_input = x
    # GravNetConv
    h_l = x @ Wh.T + bh                      # [N, C]
    s_l = x @ Ws.T                           # [N, S]
    nbr = _knn_idx(s_l)                      # [N, K]
    diff2 = jnp.sum((s_l[nbr] - s_l[:, None, :]) ** 2, axis=-1)  # [N, K]
    ew = jnp.sqrt(diff2 + 1e-6)
    w = jnp.exp(-jnp.square(ew))             # [N, K]
    msgs = w[:, :, None] * h_l[nbr]          # [N, K, C] gather + weight
    mean_ = jnp.mean(msgs, axis=1)
    max_ = jnp.max(msgs, axis=1)
    agg = jnp.concatenate([mean_, max_, x], axis=1)  # [N, 3C]
    xgn = agg @ Wlin.T + blin                # [N, C]
    # block residual + BN + MLP + residual + BN
    x1 = xgn + x_input
    x1 = _batchnorm(x1, gamma2, beta2)
    x_in2 = x1
    y = jax.nn.elu(x1 @ Wp1.T + bp1) @ Wp2.T + bp2
    x2 = x_in2 + y
    x2 = _batchnorm(x2, gamma3, beta3)
    return x2

if __name__ == "__main__":
    import jax
    _d = setup_inputs()
    print(jax.jit(kernel)(*tuple(_d.values())))

</pallas_src>

<mosaic_0001>
#map = affine_map<(d0, d1) -> (0)>
#map1 = affine_map<(d0, d1) -> (0, 0)>
module attributes {stable_mosaic.version = 14 : i64} {
  func.func @_sc_body(%arg0: i32, %arg1: i32, %arg2: memref<163840xi32, #tpu.memory_space<hbm>>, %arg3: memref<81920xf32, #tpu.memory_space<hbm>>, %arg4: memref<10240x128xf32, #tpu.memory_space<hbm>>, %arg5: memref<1310720xf32, #tpu.memory_space<hbm>>, %arg6: memref<1310720xf32, #tpu.memory_space<hbm>>, %arg7: memref<128xi32, #tpu.memory_space<vmem>>, %arg8: memref<81920xf32, #tpu.memory_space<vmem>>, %arg9: memref<128x128xf32, #tpu.memory_space<vmem>>, %arg10: memref<128xf32, #tpu.memory_space<vmem>>, %arg11: memref<1024xf32, #tpu.memory_space<vmem>>, %arg12: memref<1024xf32, #tpu.memory_space<vmem>>, %arg13: memref<!tpu.dma_semaphore, #tpu.memory_space<semaphore_mem>>) attributes {dimension_semantics = [#tpu.dimension_semantics<core_parallel>, #tpu.dimension_semantics<subcore_parallel>], iteration_bounds = array<i64: 2, 16>, scalar_prefetch = 0 : i64, scratch_operands = 7 : i64, tpu.core_type = #tpu.core_type<sc_vector_subcore>, window_params = [{transform_indices = #map}, {transform_indices = #map}, {transform_indices = #map1}, {transform_indices = #map}, {transform_indices = #map}]} {
    %mul3A = arith.constant 2 : i32
    %mul3A_0 = arith.muli %arg1, %mul3A : i32
    %add3A = arith.addi %mul3A_0, %arg0 : i32
    %mul3A_1 = arith.constant 320 : i32
    %mul3A_2 = arith.muli %add3A, %mul3A_1 : i32
    "tpu.region"() ({
      %run_scoped3A = tpu.sem_alloc : memref<!tpu.dma_semaphore, #tpu.memory_space<semaphore_mem>>
      tpu.enqueue_dma source(%arg3 : memref<81920xf32, #tpu.memory_space<hbm>>) target(%arg8 : memref<81920xf32, #tpu.memory_space<vmem>>) target_semaphore(%run_scoped3A : memref<!tpu.dma_semaphore, #tpu.memory_space<semaphore_mem>>)
      tpu.wait_dma2 semaphore(%run_scoped3A : memref<!tpu.dma_semaphore, #tpu.memory_space<semaphore_mem>>) src(%arg3 : memref<81920xf32, #tpu.memory_space<hbm>>) dst(%arg8 : memref<81920xf32, #tpu.memory_space<vmem>>)
      tpu.yield
    }) : () -> ()
    %scan3A = arith.constant 0 : i32
    %scan3A_3 = arith.constant 0 : i32
    %scan3A_4 = arith.constant 40 : i32
    %scan3A_5 = arith.addi %scan3A_3, %scan3A_4 : i32
    %scan3A_6 = arith.constant 1 : i32
    scf.for %scan3A_8 = %scan3A_3 to %scan3A_5 step %scan3A_6  : i32 {
      %mul3A_9 = arith.constant 8 : i32
      %mul3A_10 = arith.muli %scan3A_8, %mul3A_9 : i32
      %add3A_11 = arith.addi %mul3A_2, %mul3A_10 : i32
      %mul3A_12 = arith.constant 16 : i32
      %mul3A_13 = arith.muli %add3A_11, %mul3A_12 : i32
      "tpu.region"() ({
        %run_scoped3A = tpu.sem_alloc : memref<!tpu.dma_semaphore, #tpu.memory_space<semaphore_mem>>
        %dma_start3A_34 = tpu.memref_slice %arg2[%mul3A_13] : memref<163840xi32, #tpu.memory_space<hbm>> -> memref<128xi32, #tpu.memory_space<hbm>>
        %dma_start3A_35 = tpu.memref_slice %arg2[%mul3A_13] : memref<163840xi32, #tpu.memory_space<hbm>> -> memref<128xi32, #tpu.memory_space<hbm>>
        tpu.enqueue_dma source(%dma_start3A_35 : memref<128xi32, #tpu.memory_space<hbm>>) target(%arg7 : memref<128xi32, #tpu.memory_space<vmem>>) target_semaphore(%run_scoped3A : memref<!tpu.dma_semaphore, #tpu.memory_space<semaphore_mem>>)
        %dma_wait3A_36 = tpu.memref_slice %arg2[%mul3A_13] : memref<163840xi32, #tpu.memory_space<hbm>> -> memref<128xi32, #tpu.memory_space<hbm>>
        %dma_wait3A_37 = tpu.memref_slice %arg2[%mul3A_13] : memref<163840xi32, #tpu.memory_space<hbm>> -> memref<128xi32, #tpu.memory_space<hbm>>
        tpu.wait_dma2 semaphore(%run_scoped3A : memref<!tpu.dma_semaphore, #tpu.memory_space<semaphore_mem>>) src(%dma_wait3A_37 : memref<128xi32, #tpu.memory_space<hbm>>) dst(%arg7 : memref<128xi32, #tpu.memory_space<vmem>>)
        tpu.yield
      }) : () -> ()
      %dma_start3A = arith.constant 0 : i32
      %dma_start3A_14 = arith.constant 0 : i32
      %dma_start3A_15 = tpu.memref_slice %arg4[%dma_start3A, %dma_start3A_14] : memref<10240x128xf32, #tpu.memory_space<hbm>> -> memref<10240x128xf32, #tpu.memory_space<hbm>>
      tpu.enqueue_indirect_dma source(%dma_start3A_15 : memref<10240x128xf32, #tpu.memory_space<hbm>>) target(%arg9 : memref<128x128xf32, #tpu.memory_space<vmem>>) offsets(%arg7 : memref<128xi32, #tpu.memory_space<vmem>>) semaphore(%arg13 : memref<!tpu.dma_semaphore, #tpu.memory_space<semaphore_mem>>)
      %dma_wait3A = arith.constant 0 : i32
      %dma_wait3A_16 = arith.constant 0 : i32
      %dma_wait3A_17 = tpu.memref_slice %arg4[%dma_wait3A, %dma_wait3A_16] : memref<10240x128xf32, #tpu.memory_space<hbm>> -> memref<10240x128xf32, #tpu.memory_space<hbm>>
      tpu.wait_indirect_dma semaphore(%arg13 : memref<!tpu.dma_semaphore, #tpu.memory_space<semaphore_mem>>) src(%dma_wait3A_17 : memref<10240x128xf32, #tpu.memory_space<hbm>>) dst(%arg9 : memref<128x128xf32, #tpu.memory_space<vmem>>)
      %scan3A_18 = arith.constant 0 : i32
      %scan3A_19 = arith.constant 0 : i32
      %scan3A_20 = arith.constant 8 : i32
      %scan3A_21 = arith.addi %scan3A_19, %scan3A_20 : i32
      %scan3A_22 = arith.constant 1 : i32
      scf.for %scan3A_34 = %scan3A_19 to %scan3A_21 step %scan3A_22  : i32 {
        %add3A_35 = arith.addi %add3A_11, %scan3A_34 : i32
        %mul3A_36 = arith.constant 16 : i32
        %mul3A_37 = arith.muli %scan3A_34, %mul3A_36 : i32
        %get3A = arith.index_cast %mul3A_37 : i32 to index
        %get3A_38 = tpu.vector_load %arg7[%get3A] {strides = array<i32>} : memref<128xi32, #tpu.memory_space<vmem>>, vector<16xi32>,
        %broadcast_in_dim3A = arith.constant 0 : i32
        %broadcast_in_dim3A_39 = vector.broadcast %broadcast_in_dim3A : i32 to vector<16xi32>
        %add3A_40 = vector.broadcast %add3A_35 : i32 to vector<16xi32>
        %add3A_41 = arith.addi %broadcast_in_dim3A_39, %add3A_40 : vector<16xi32>
        %broadcast_in_dim3A_42 = arith.constant 0.000000e+00 : f32
        %broadcast_in_dim3A_43 = vector.broadcast %broadcast_in_dim3A_42 : f32 to vector<16xf32>
        %mul3A_44 = arith.constant 8 : i32
        %mul3A_45 = vector.broadcast %mul3A_44 : i32 to vector<16xi32>
        %mul3A_46 = arith.muli %get3A_38, %mul3A_45 : vector<16xi32>
        %add3A_47 = arith.constant 0 : i32
        %add3A_48 = vector.broadcast %add3A_47 : i32 to vector<16xi32>
        %add3A_49 = arith.addi %mul3A_46, %add3A_48 : vector<16xi32>
        %gather3A = tpu.vector_load_idx %arg8[%add3A_49] : memref<81920xf32, #tpu.memory_space<vmem>>[vector<16xi32>], vector<16xf32>,
        %mul3A_50 = arith.constant 8 : i32
        %mul3A_51 = vector.broadcast %mul3A_50 : i32 to vector<16xi32>
        %mul3A_52 = arith.muli %add3A_41, %mul3A_51 : vector<16xi32>
        %add3A_53 = arith.constant 0 : i32
        %add3A_54 = vector.broadcast %add3A_53 : i32 to vector<16xi32>
        %add3A_55 = arith.addi %mul3A_52, %add3A_54 : vector<16xi32>
        %gather3A_56 = tpu.vector_load_idx %arg8[%add3A_55] : memref<81920xf32, #tpu.memory_space<vmem>>[vector<16xi32>], vector<16xf32>,
        %sub3A = arith.subf %gather3A, %gather3A_56 : vector<16xf32>
        %mul3A_57 = arith.mulf %sub3A, %sub3A : vector<16xf32>
        %add3A_58 = arith.addf %broadcast_in_dim3A_43, %mul3A_57 : vector<16xf32>
        %mul3A_59 = arith.constant 8 : i32
        %mul3A_60 = vector.broadcast %mul3A_59 : i32 to vector<16xi32>
        %mul3A_61 = arith.muli %get3A_38, %mul3A_60 : vector<16xi32>
        %add3A_62 = arith.constant 1 : i32
        %add3A_63 = vector.broadcast %add3A_62 : i32 to vector<16xi32>
        %add3A_64 = arith.addi %mul3A_61, %add3A_63 : vector<16xi32>
        %gather3A_65 = tpu.vector_load_idx %arg8[%add3A_64] : memref<81920xf32, #tpu.memory_space<vmem>>[vector<16xi32>], vector<16xf32>,
        %mul3A_66 = arith.constant 8 : i32
        %mul3A_67 = vector.broadcast %mul3A_66 : i32 to vector<16xi32>
        %mul3A_68 = arith.muli %add3A_41, %mul3A_67 : vector<16xi32>
        %add3A_69 = arith.constant 1 : i32
        %add3A_70 = vector.broadcast %add3A_69 : i32 to vector<16xi32>
        %add3A_71 = arith.addi %mul3A_68, %add3A_70 : vector<16xi32>
        %gather3A_72 = tpu.vector_load_idx %arg8[%add3A_71] : memref<81920xf32, #tpu.memory_space<vmem>>[vector<16xi32>], vector<16xf32>,
        %sub3A_73 = arith.subf %gather3A_65, %gather3A_72 : vector<16xf32>
        %mul3A_74 = arith.mulf %sub3A_73, %sub3A_73 : vector<16xf32>
        %add3A_75 = arith.addf %add3A_58, %mul3A_74 : vector<16xf32>
        %mul3A_76 = arith.constant 8 : i32
        %mul3A_77 = vector.broadcast %mul3A_76 : i32 to vector<16xi32>
        %mul3A_78 = arith.muli %get3A_38, %mul3A_77 : vector<16xi32>
        %add3A_79 = arith.constant 2 : i32
        %add3A_80 = vector.broadcast %add3A_79 : i32 to vector<16xi32>
        %add3A_81 = arith.addi %mul3A_78, %add3A_80 : vector<16xi32>
        %gather3A_82 = tpu.vector_load_idx %arg8[%add3A_81] : memref<81920xf32, #tpu.memory_space<vmem>>[vector<16xi32>], vector<16xf32>,
        %mul3A_83 = arith.constant 8 : i32
        %mul3A_84 = vector.broadcast %mul3A_83 : i32 to vector<16xi32>
        %mul3A_85 = arith.muli %add3A_41, %mul3A_84 : vector<16xi32>
        %add3A_86 = arith.constant 2 : i32
        %add3A_87 = vector.broadcast %add3A_86 : i32 to vector<16xi32>
        %add3A_88 = arith.addi %mul3A_85, %add3A_87 : vector<16xi32>
        %gather3A_89 = tpu.vector_load_idx %arg8[%add3A_88] : memref<81920xf32, #tpu.memory_space<vmem>>[vector<16xi32>], vector<16xf32>,
        %sub3A_90 = arith.subf %gather3A_82, %gather3A_89 : vector<16xf32>
        %mul3A_91 = arith.mulf %sub3A_90, %sub3A_90 : vector<16xf32>
        %add3A_92 = arith.addf %add3A_75, %mul3A_91 : vector<16xf32>
        %mul3A_93 = arith.constant 8 : i32
        %mul3A_94 = vector.broadcast %mul3A_93 : i32 to vector<16xi32>
        %mul3A_95 = arith.muli %get3A_38, %mul3A_94 : vector<16xi32>
        %add3A_96 = arith.constant 3 : i32
        %add3A_97 = vector.broadcast %add3A_96 : i32 to vector<16xi32>
        %add3A_98 = arith.addi %mul3A_95, %add3A_97 : vector<16xi32>
        %gather3A_99 = tpu.vector_load_idx %arg8[%add3A_98] : memref<81920xf32, #tpu.memory_space<vmem>>[vector<16xi32>], vector<16xf32>,
        %mul3A_100 = arith.constant 8 : i32
        %mul3A_101 = vector.broadcast %mul3A_100 : i32 to vector<16xi32>
        %mul3A_102 = arith.muli %add3A_41, %mul3A_101 : vector<16xi32>
        %add3A_103 = arith.constant 3 : i32
        %add3A_104 = vector.broadcast %add3A_103 : i32 to vector<16xi32>
        %add3A_105 = arith.addi %mul3A_102, %add3A_104 : vector<16xi32>
        %gather3A_106 = tpu.vector_load_idx %arg8[%add3A_105] : memref<81920xf32, #tpu.memory_space<vmem>>[vector<16xi32>], vector<16xf32>,
        %sub3A_107 = arith.subf %gather3A_99, %gather3A_106 : vector<16xf32>
        %mul3A_108 = arith.mulf %sub3A_107, %sub3A_107 : vector<16xf32>
        %add3A_109 = arith.addf %add3A_92, %mul3A_108 : vector<16xf32>
        %add3A_110 = arith.constant 9.99999997E-7 : f32
        %add3A_111 = vector.broadcast %add3A_110 : f32 to vector<16xf32>
        %add3A_112 = arith.addf %add3A_109, %add3A_111 : vector<16xf32>
        %neg3A = arith.constant 0.000000e+00 : f32
        %neg3A_113 = vector.broadcast %neg3A : f32 to vector<16xf32>
        %neg3A_114 = arith.subf %neg3A_113, %add3A_112 : vector<16xf32>
        %exp3A = math.exp %neg3A_114 : vector<16xf32>
        %swap3A = arith.index_cast %mul3A_37 : i32 to index
        %swap3A_115 = tpu.vector_load %arg10[%swap3A] {strides = array<i32>} : memref<128xf32, #tpu.memory_space<vmem>>, vector<16xf32>,
        tpu.vector_store %arg10[%swap3A], %exp3A {strides = array<i32>} : memref<128xf32, #tpu.memory_space<vmem>>, vector<16xf32>,
      }
      %scan3A_23 = arith.constant 8 : i32
      %scan3A_24 = arith.constant 0 : i32
      %scan3A_25 = arith.constant 0 : i32
      %scan3A_26 = arith.constant 8 : i32
      %scan3A_27 = arith.addi %scan3A_25, %scan3A_26 : i32
      %scan3A_28 = arith.constant 1 : i32
      scf.for %scan3A_34 = %scan3A_25 to %scan3A_27 step %scan3A_28  : i32 {
        %mul3A_35 = arith.constant 16 : i32
        %mul3A_36 = arith.muli %scan3A_34, %mul3A_35 : i32
        %add3A_37 = arith.constant 0 : i32
        %add3A_38 = arith.addi %mul3A_36, %add3A_37 : i32
        %broadcast_in_dim3A = vector.broadcast %add3A_38 : i32 to vector<16xi32>
        %gather3A = tpu.vector_load_idx %arg10[%broadcast_in_dim3A] : memref<128xf32, #tpu.memory_space<vmem>>[vector<16xi32>], vector<16xf32>,
        %add3A_39 = arith.constant 1 : i32
        %add3A_40 = arith.addi %mul3A_36, %add3A_39 : i32
        %broadcast_in_dim3A_41 = vector.broadcast %add3A_40 : i32 to vector<16xi32>
        %gather3A_42 = tpu.vector_load_idx %arg10[%broadcast_in_dim3A_41] : memref<128xf32, #tpu.memory_space<vmem>>[vector<16xi32>], vector<16xf32>,
        %add3A_43 = arith.constant 2 : i32
        %add3A_44 = arith.addi %mul3A_36, %add3A_43 : i32
        %broadcast_in_dim3A_45 = vector.broadcast %add3A_44 : i32 to vector<16xi32>
        %gather3A_46 = tpu.vector_load_idx %arg10[%broadcast_in_dim3A_45] : memref<128xf32, #tpu.memory_space<vmem>>[vector<16xi32>], vector<16xf32>,
        %add3A_47 = arith.constant 3 : i32
        %add3A_48 = arith.addi %mul3A_36, %add3A_47 : i32
        %broadcast_in_dim3A_49 = vector.broadcast %add3A_48 : i32 to vector<16xi32>
        %gather3A_50 = tpu.vector_load_idx %arg10[%broadcast_in_dim3A_49] : memref<128xf32, #tpu.memory_space<vmem>>[vector<16xi32>], vector<16xf32>,
        %add3A_51 = arith.constant 4 : i32
        %add3A_52 = arith.addi %mul3A_36, %add3A_51 : i32
        %broadcast_in_dim3A_53 = vector.broadcast %add3A_52 : i32 to vector<16xi32>
        %gather3A_54 = tpu.vector_load_idx %arg10[%broadcast_in_dim3A_53] : memref<128xf32, #tpu.memory_space<vmem>>[vector<16xi32>], vector<16xf32>,
        %add3A_55 = arith.constant 5 : i32
        %add3A_56 = arith.addi %mul3A_36, %add3A_55 : i32
        %broadcast_in_dim3A_57 = vector.broadcast %add3A_56 : i32 to vector<16xi32>
        %gather3A_58 = tpu.vector_load_idx %arg10[%broadcast_in_dim3A_57] : memref<128xf32, #tpu.memory_space<vmem>>[vector<16xi32>], vector<16xf32>,
        %add3A_59 = arith.constant 6 : i32
        %add3A_60 = arith.addi %mul3A_36, %add3A_59 : i32
        %broadcast_in_dim3A_61 = vector.broadcast %add3A_60 : i32 to vector<16xi32>
        %gather3A_62 = tpu.vector_load_idx %arg10[%broadcast_in_dim3A_61] : memref<128xf32, #tpu.memory_space<vmem>>[vector<16xi32>], vector<16xf32>,
        %add3A_63 = arith.constant 7 : i32
        %add3A_64 = arith.addi %mul3A_36, %add3A_63 : i32
        %broadcast_in_dim3A_65 = vector.broadcast %add3A_64 : i32 to vector<16xi32>
        %gather3A_66 = tpu.vector_load_idx %arg10[%broadcast_in_dim3A_65] : memref<128xf32, #tpu.memory_space<vmem>>[vector<16xi32>], vector<16xf32>,
        %add3A_67 = arith.constant 8 : i32
        %add3A_68 = arith.addi %mul3A_36, %add3A_67 : i32
        %broadcast_in_dim3A_69 = vector.broadcast %add3A_68 : i32 to vector<16xi32>
        %gather3A_70 = tpu.vector_load_idx %arg10[%broadcast_in_dim3A_69] : memref<128xf32, #tpu.memory_space<vmem>>[vector<16xi32>], vector<16xf32>,
        %add3A_71 = arith.constant 9 : i32
        %add3A_72 = arith.addi %mul3A_36, %add3A_71 : i32
        %broadcast_in_dim3A_73 = vector.broadcast %add3A_72 : i32 to vector<16xi32>
        %gather3A_74 = tpu.vector_load_idx %arg10[%broadcast_in_dim3A_73] : memref<128xf32, #tpu.memory_space<vmem>>[vector<16xi32>], vector<16xf32>,
        %add3A_75 = arith.constant 10 : i32
        %add3A_76 = arith.addi %mul3A_36, %add3A_75 : i32
        %broadcast_in_dim3A_77 = vector.broadcast %add3A_76 : i32 to vector<16xi32>
        %gather3A_78 = tpu.vector_load_idx %arg10[%broadcast_in_dim3A_77] : memref<128xf32, #tpu.memory_space<vmem>>[vector<16xi32>], vector<16xf32>,
        %add3A_79 = arith.constant 11 : i32
        %add3A_80 = arith.addi %mul3A_36, %add3A_79 : i32
        %broadcast_in_dim3A_81 = vector.broadcast %add3A_80 : i32 to vector<16xi32>
        %gather3A_82 = tpu.vector_load_idx %arg10[%broadcast_in_dim3A_81] : memref<128xf32, #tpu.memory_space<vmem>>[vector<16xi32>], vector<16xf32>,
        %add3A_83 = arith.constant 12 : i32
        %add3A_84 = arith.addi %mul3A_36, %add3A_83 : i32
        %broadcast_in_dim3A_85 = vector.broadcast %add3A_84 : i32 to vector<16xi32>
        %gather3A_86 = tpu.vector_load_idx %arg10[%broadcast_in_dim3A_85] : memref<128xf32, #tpu.memory_space<vmem>>[vector<16xi32>], vector<16xf32>,
        %add3A_87 = arith.constant 13 : i32
        %add3A_88 = arith.addi %mul3A_36, %add3A_87 : i32
        %broadcast_in_dim3A_89 = vector.broadcast %add3A_88 : i32 to vector<16xi32>
        %gather3A_90 = tpu.vector_load_idx %arg10[%broadcast_in_dim3A_89] : memref<128xf32, #tpu.memory_space<vmem>>[vector<16xi32>], vector<16xf32>,
        %add3A_91 = arith.constant 14 : i32
        %add3A_92 = arith.addi %mul3A_36, %add3A_91 : i32
        %broadcast_in_dim3A_93 = vector.broadcast %add3A_92 : i32 to vector<16xi32>
        %gather3A_94 = tpu.vector_load_idx %arg10[%broadcast_in_dim3A_93] : memref<128xf32, #tpu.memory_space<vmem>>[vector<16xi32>], vector<16xf32>,
        %add3A_95 = arith.constant 15 : i32
        %add3A_96 = arith.addi %mul3A_36, %add3A_95 : i32
        %broadcast_in_dim3A_97 = vector.broadcast %add3A_96 : i32 to vector<16xi32>
        %gather3A_98 = tpu.vector_load_idx %arg10[%broadcast_in_dim3A_97] : memref<128xf32, #tpu.memory_space<vmem>>[vector<16xi32>], vector<16xf32>,
        %get3A = arith.index_cast %mul3A_36 : i32 to index
        %get3A_99 = arith.constant 0 : index
        %get3A_100 = tpu.vector_load %arg9[%get3A, %get3A_99] {strides = array<i32>} : memref<128x128xf32, #tpu.memory_space<vmem>>, vector<16xf32>,
        %mul3A_101 = arith.mulf %gather3A, %get3A_100 : vector<16xf32>
        %add3A_102 = arith.constant 1 : i32
        %add3A_103 = arith.addi %mul3A_36, %add3A_102 : i32
        %get3A_104 = arith.index_cast %add3A_103 : i32 to index
        %get3A_105 = arith.constant 0 : index
        %get3A_106 = tpu.vector_load %arg9[%get3A_104, %get3A_105] {strides = array<i32>} : memref<128x128xf32, #tpu.memory_space<vmem>>, vector<16xf32>,
        %mul3A_107 = arith.mulf %gather3A_42, %get3A_106 : vector<16xf32>
        %add3A_108 = arith.addf %mul3A_101, %mul3A_107 : vector<16xf32>
        %max3A = arith.maximumf %mul3A_101, %mul3A_107 : vector<16xf32>
        %add3A_109 = arith.constant 2 : i32
        %add3A_110 = arith.addi %mul3A_36, %add3A_109 : i32
        %get3A_111 = arith.index_cast %add3A_110 : i32 to index
        %get3A_112 = arith.constant 0 : index
        %get3A_113 = tpu.vector_load %arg9[%get3A_111, %get3A_112] {strides = array<i32>} : memref<128x128xf32, #tpu.memory_space<vmem>>, vector<16xf32>,
        %mul3A_114 = arith.mulf %gather3A_46, %get3A_113 : vector<16xf32>
        %add3A_115 = arith.addf %add3A_108, %mul3A_114 : vector<16xf32>
        %max3A_116 = arith.maximumf %max3A, %mul3A_114 : vector<16xf32>
        %add3A_117 = arith.constant 3 : i32
        %add3A_118 = arith.addi %mul3A_36, %add3A_117 : i32
        %get3A_119 = arith.index_cast %add3A_118 : i32 to index
        %get3A_120 = arith.constant 0 : index
        %get3A_121 = tpu.vector_load %arg9[%get3A_119, %get3A_120] {strides = array<i32>} : memref<128x128xf32, #tpu.memory_space<vmem>>, vector<16xf32>,
        %mul3A_122 = arith.mulf %gather3A_50, %get3A_121 : vector<16xf32>
        %add3A_123 = arith.addf %add3A_115, %mul3A_122 : vector<16xf32>
        %max3A_124 = arith.maximumf %max3A_116, %mul3A_122 : vector<16xf32>
        %add3A_125 = arith.constant 4 : i32
        %add3A_126 = arith.addi %mul3A_36, %add3A_125 : i32
        %get3A_127 = arith.index_cast %add3A_126 : i32 to index
        %get3A_128 = arith.constant 0 : index
        %get3A_129 = tpu.vector_load %arg9[%get3A_127, %get3A_128] {strides = array<i32>} : memref<128x128xf32, #tpu.memory_space<vmem>>, vector<16xf32>,
        %mul3A_130 = arith.mulf %gather3A_54, %get3A_129 : vector<16xf32>
        %add3A_131 = arith.addf %add3A_123, %mul3A_130 : vector<16xf32>
        %max3A_132 = arith.maximumf %max3A_124, %mul3A_130 : vector<16xf32>
        %add3A_133 = arith.constant 5 : i32
        %add3A_134 = arith.addi %mul3A_36, %add3A_133 : i32
        %get3A_135 = arith.index_cast %add3A_134 : i32 to index
        %get3A_136 = arith.constant 0 : index
        %get3A_137 = tpu.vector_load %arg9[%get3A_135, %get3A_136] {strides = array<i32>} : memref<128x128xf32, #tpu.memory_space<vmem>>, vector<16xf32>,
        %mul3A_138 = arith.mulf %gather3A_58, %get3A_137 : vector<16xf32>
        %add3A_139 = arith.addf %add3A_131, %mul3A_138 : vector<16xf32>
        %max3A_140 = arith.maximumf %max3A_132, %mul3A_138 : vector<16xf32>
        %add3A_141 = arith.constant 6 : i32
        %add3A_142 = arith.addi %mul3A_36, %add3A_141 : i32
        %get3A_143 = arith.index_cast %add3A_142 : i32 to index
        %get3A_144 = arith.constant 0 : index
        %get3A_145 = tpu.vector_load %arg9[%get3A_143, %get3A_144] {strides = array<i32>} : memref<128x128xf32, #tpu.memory_space<vmem>>, vector<16xf32>,
        %mul3A_146 = arith.mulf %gather3A_62, %get3A_145 : vector<16xf32>
        %add3A_147 = arith.addf %add3A_139, %mul3A_146 : vector<16xf32>
        %max3A_148 = arith.maximumf %max3A_140, %mul3A_146 : vector<16xf32>
        %add3A_149 = arith.constant 7 : i32
        %add3A_150 = arith.addi %mul3A_36, %add3A_149 : i32
        %get3A_151 = arith.index_cast %add3A_150 : i32 to index
        %get3A_152 = arith.constant 0 : index
        %get3A_153 = tpu.vector_load %arg9[%get3A_151, %get3A_152] {strides = array<i32>} : memref<128x128xf32, #tpu.memory_space<vmem>>, vector<16xf32>,
        %mul3A_154 = arith.mulf %gather3A_66, %get3A_153 : vector<16xf32>
        %add3A_155 = arith.addf %add3A_147, %mul3A_154 : vector<16xf32>
        %max3A_156 = arith.maximumf %max3A_148, %mul3A_154 : vector<16xf32>
        %add3A_157 = arith.constant 8 : i32
        %add3A_158 = arith.addi %mul3A_36, %add3A_157 : i32
        %get3A_159 = arith.index_cast %add3A_158 : i32 to index
        %get3A_160 = arith.constant 0 : index
        %get3A_161 = tpu.vector_load %arg9[%get3A_159, %get3A_160] {strides = array<i32>} : memref<128x128xf32, #tpu.memory_space<vmem>>, vector<16xf32>,
        %mul3A_162 = arith.mulf %gather3A_70, %get3A_161 : vector<16xf32>
        %add3A_163 = arith.addf %add3A_155, %mul3A_162 : vector<16xf32>
        %max3A_164 = arith.maximumf %max3A_156, %mul3A_162 : vector<16xf32>
        %add3A_165 = arith.constant 9 : i32
        %add3A_166 = arith.addi %mul3A_36, %add3A_165 : i32
        %get3A_167 = arith.index_cast %add3A_166 : i32 to index
        %get3A_168 = arith.constant 0 : index
        %get3A_169 = tpu.vector_load %arg9[%get3A_167, %get3A_168] {strides = array<i32>} : memref<128x128xf32, #tpu.memory_space<vmem>>, vector<16xf32>,
        %mul3A_170 = arith.mulf %gather3A_74, %get3A_169 : vector<16xf32>
        %add3A_171 = arith.addf %add3A_163, %mul3A_170 : vector<16xf32>
        %max3A_172 = arith.maximumf %max3A_164, %mul3A_170 : vector<16xf32>
        %add3A_173 = arith.constant 10 : i32
        %add3A_174 = arith.addi %mul3A_36, %add3A_173 : i32
        %get3A_175 = arith.index_cast %add3A_174 : i32 to index
        %get3A_176 = arith.constant 0 : index
        %get3A_177 = tpu.vector_load %arg9[%get3A_175, %get3A_176] {strides = array<i32>} : memref<128x128xf32, #tpu.memory_space<vmem>>, vector<16xf32>,
        %mul3A_178 = arith.mulf %gather3A_78, %get3A_177 : vector<16xf32>
        %add3A_179 = arith.addf %add3A_171, %mul3A_178 : vector<16xf32>
        %max3A_180 = arith.maximumf %max3A_172, %mul3A_178 : vector<16xf32>
        %add3A_181 = arith.constant 11 : i32
        %add3A_182 = arith.addi %mul3A_36, %add3A_181 : i32
        %get3A_183 = arith.index_cast %add3A_182 : i32 to index
        %get3A_184 = arith.constant 0 : index
        %get3A_185 = tpu.vector_load %arg9[%get3A_183, %get3A_184] {strides = array<i32>} : memref<128x128xf32, #tpu.memory_space<vmem>>, vector<16xf32>,
        %mul3A_186 = arith.mulf %gather3A_82, %get3A_185 : vector<16xf32>
        %add3A_187 = arith.addf %add3A_179, %mul3A_186 : vector<16xf32>
        %max3A_188 = arith.maximumf %max3A_180, %mul3A_186 : vector<16xf32>
        %add3A_189 = arith.constant 12 : i32
        %add3A_190 = arith.addi %mul3A_36, %add3A_189 : i32
        %get3A_191 = arith.index_cast %add3A_190 : i32 to index
        %get3A_192 = arith.constant 0 : index
        %get3A_193 = tpu.vector_load %arg9[%get3A_191, %get3A_192] {strides = array<i32>} : memref<128x128xf32, #tpu.memory_space<vmem>>, vector<16xf32>,
        %mul3A_194 = arith.mulf %gather3A_86, %get3A_193 : vector<16xf32>
        %add3A_195 = arith.addf %add3A_187, %mul3A_194 : vector<16xf32>
        %max3A_196 = arith.maximumf %max3A_188, %mul3A_194 : vector<16xf32>
        %add3A_197 = arith.constant 13 : i32
        %add3A_198 = arith.addi %mul3A_36, %add3A_197 : i32
        %get3A_199 = arith.index_cast %add3A_198 : i32 to index
        %get3A_200 = arith.constant 0 : index
        %get3A_201 = tpu.vector_load %arg9[%get3A_199, %get3A_200] {strides = array<i32>} : memref<128x128xf32, #tpu.memory_space<vmem>>, vector<16xf32>,
        %mul3A_202 = arith.mulf %gather3A_90, %get3A_201 : vector<16xf32>
        %add3A_203 = arith.addf %add3A_195, %mul3A_202 : vector<16xf32>
        %max3A_204 = arith.maximumf %max3A_196, %mul3A_202 : vector<16xf32>
        %add3A_205 = arith.constant 14 : i32
        %add3A_206 = arith.addi %mul3A_36, %add3A_205 : i32
        %get3A_207 = arith.index_cast %add3A_206 : i32 to index
        %get3A_208 = arith.constant 0 : index
        %get3A_209 = tpu.vector_load %arg9[%get3A_207, %get3A_208] {strides = array<i32>} : memref<128x128xf32, #tpu.memory_space<vmem>>, vector<16xf32>,
        %mul3A_210 = arith.mulf %gather3A_94, %get3A_209 : vector<16xf32>
        %add3A_211 = arith.addf %add3A_203, %mul3A_210 : vector<16xf32>
        %max3A_212 = arith.maximumf %max3A_204, %mul3A_210 : vector<16xf32>
        %add3A_213 = arith.constant 15 : i32
        %add3A_214 = arith.addi %mul3A_36, %add3A_213 : i32
        %get3A_215 = arith.index_cast %add3A_214 : i32 to index
        %get3A_216 = arith.constant 0 : index
        %get3A_217 = tpu.vector_load %arg9[%get3A_215, %get3A_216] {strides = array<i32>} : memref<128x128xf32, #tpu.memory_space<vmem>>, vector<16xf32>,
        %mul3A_218 = arith.mulf %gather3A_98, %get3A_217 : vector<16xf32>
        %add3A_219 = arith.addf %add3A_211, %mul3A_218 : vector<16xf32>
        %max3A_220 = arith.maximumf %max3A_212, %mul3A_218 : vector<16xf32>
        %mul3A_221 = arith.constant 6.250000e-02 : f32
        %mul3A_222 = vector.broadcast %mul3A_221 : f32 to vector<16xf32>
        %mul3A_223 = arith.mulf %add3A_219, %mul3A_222 : vector<16xf32>
        %mul3A_224 = arith.constant 128 : i32
        %mul3A_225 = arith.muli %scan3A_34, %mul3A_224 : i32
        %add3A_226 = arith.constant 0 : i32
        %add3A_227 = arith.addi %mul3A_225, %add3A_226 : i32
        %swap3A = arith.index_cast %add3A_227 : i32 to index
        %swap3A_228 = tpu.vector_load %arg11[%swap3A] {strides = array<i32>} : memref<1024xf32, #tpu.memory_space<vmem>>, vector<16xf32>,
        tpu.vector_store %arg11[%swap3A], %mul3A_223 {strides = array<i32>} : memref<1024xf32, #tpu.memory_space<vmem>>, vector<16xf32>,
        %mul3A_229 = arith.constant 128 : i32
        %mul3A_230 = arith.muli %scan3A_34, %mul3A_229 : i32
        %add3A_231 = arith.constant 0 : i32
        %add3A_232 = arith.addi %mul3A_230, %add3A_231 : i32
        %swap3A_233 = arith.index_cast %add3A_232 : i32 to index
        %swap3A_234 = tpu.vector_load %arg12[%swap3A_233] {strides = array<i32>} : memref<1024xf32, #tpu.memory_space<vmem>>, vector<16xf32>,
        tpu.vector_store %arg12[%swap3A_233], %max3A_220 {strides = array<i32>} : memref<1024xf32, #tpu.memory_space<vmem>>, vector<16xf32>,
        %get3A_235 = arith.index_cast %mul3A_36 : i32 to index
        %get3A_236 = arith.constant 16 : index
        %get3A_237 = tpu.vector_load %arg9[%get3A_235, %get3A_236] {strides = array<i32>} : memref<128x128xf32, #tpu.memory_space<vmem>>, vector<16xf32>,
        %mul3A_238 = arith.mulf %gather3A, %get3A_237 : vector<16xf32>
        %add3A_239 = arith.constant 1 : i32
        %add3A_240 = arith.addi %mul3A_36, %add3A_239 : i32
        %get3A_241 = arith.index_cast %add3A_240 : i32 to index
        %get3A_242 = arith.constant 16 : index
        %get3A_243 = tpu.vector_load %arg9[%get3A_241, %get3A_242] {strides = array<i32>} : memref<128x128xf32, #tpu.memory_space<vmem>>, vector<16xf32>,
        %mul3A_244 = arith.mulf %gather3A_42, %get3A_243 : vector<16xf32>
        %add3A_245 = arith.addf %mul3A_238, %mul3A_244 : vector<16xf32>
        %max3A_246 = arith.maximumf %mul3A_238, %mul3A_244 : vector<16xf32>
        %add3A_247 = arith.constant 2 : i32
        %add3A_248 = arith.addi %mul3A_36, %add3A_247 : i32
        %get3A_249 = arith.index_cast %add3A_248 : i32 to index
        %get3A_250 = arith.constant 16 : index
        %get3A_251 = tpu.vector_load %arg9[%get3A_249, %get3A_250] {strides = array<i32>} : memref<128x128xf32, #tpu.memory_space<vmem>>, vector<16xf32>,
        %mul3A_252 = arith.mulf %gather3A_46, %get3A_251 : vector<16xf32>
        %add3A_253 = arith.addf %add3A_245, %mul3A_252 : vector<16xf32>
        %max3A_254 = arith.maximumf %max3A_246, %mul3A_252 : vector<16xf32>
        %add3A_255 = arith.constant 3 : i32
        %add3A_256 = arith.addi %mul3A_36, %add3A_255 : i32
        %get3A_257 = arith.index_cast %add3A_256 : i32 to index
        %get3A_258 = arith.constant 16 : index
        %get3A_259 = tpu.vector_load %arg9[%get3A_257, %get3A_258] {strides = array<i32>} : memref<128x128xf32, #tpu.memory_space<vmem>>, vector<16xf32>,
        %mul3A_260 = arith.mulf %gather3A_50, %get3A_259 : vector<16xf32>
        %add3A_261 = arith.addf %add3A_253, %mul3A_260 : vector<16xf32>
        %max3A_262 = arith.maximumf %max3A_254, %mul3A_260 : vector<16xf32>
        %add3A_263 = arith.constant 4 : i32
        %add3A_264 = arith.addi %mul3A_36, %add3A_263 : i32
        %get3A_265 = arith.index_cast %add3A_264 : i32 to index
        %get3A_266 = arith.constant 16 : index
        %get3A_267 = tpu.vector_load %arg9[%get3A_265, %get3A_266] {strides = array<i32>} : memref<128x128xf32, #tpu.memory_space<vmem>>, vector<16xf32>,
        %mul3A_268 = arith.mulf %gather3A_54, %get3A_267 : vector<16xf32>
        %add3A_269 = arith.addf %add3A_261, %mul3A_268 : vector<16xf32>
        %max3A_270 = arith.maximumf %max3A_262, %mul3A_268 : vector<16xf32>
        %add3A_271 = arith.constant 5 : i32
        %add3A_272 = arith.addi %mul3A_36, %add3A_271 : i32
        %get3A_273 = arith.index_cast %add3A_272 : i32 to index
        %get3A_274 = arith.constant 16 : index
        %get3A_275 = tpu.vector_load %arg9[%get3A_273, %get3A_274] {strides = array<i32>} : memref<128x128xf32, #tpu.memory_space<vmem>>, vector<16xf32>,
        %mul3A_276 = arith.mulf %gather3A_58, %get3A_275 : vector<16xf32>
        %add3A_277 = arith.addf %add3A_269, %mul3A_276 : vector<16xf32>
        %max3A_278 = arith.maximumf %max3A_270, %mul3A_276 : vector<16xf32>
        %add3A_279 = arith.constant 6 : i32
        %add3A_280 = arith.addi %mul3A_36, %add3A_279 : i32
        %get3A_281 = arith.index_cast %add3A_280 : i32 to index
        %get3A_282 = arith.constant 16 : index
        %get3A_283 = tpu.vector_load %arg9[%get3A_281, %get3A_282] {strides = array<i32>} : memref<128x128xf32, #tpu.memory_space<vmem>>, vector<16xf32>,
        %mul3A_284 = arith.mulf %gather3A_62, %get3A_283 : vector<16xf32>
        %add3A_285 = arith.addf %add3A_277, %mul3A_284 : vector<16xf32>
        %max3A_286 = arith.maximumf %max3A_278, %mul3A_284 : vector<16xf32>
        %add3A_287 = arith.constant 7 : i32
        %add3A_288 = arith.addi %mul3A_36, %add3A_287 : i32
        %get3A_289 = arith.index_cast %add3A_288 : i32 to index
        %get3A_290 = arith.constant 16 : index
        %get3A_291 = tpu.vector_load %arg9[%get3A_289, %get3A_290] {strides = array<i32>} : memref<128x128xf32, #tpu.memory_space<vmem>>, vector<16xf32>,
        %mul3A_292 = arith.mulf %gather3A_66, %get3A_291 : vector<16xf32>
        %add3A_293 = arith.addf %add3A_285, %mul3A_292 : vector<16xf32>
        %max3A_294 = arith.maximumf %max3A_286, %mul3A_292 : vector<16xf32>
        %add3A_295 = arith.constant 8 : i32
        %add3A_296 = arith.addi %mul3A_36, %add3A_295 : i32
        %get3A_297 = arith.index_cast %add3A_296 : i32 to index
        %get3A_298 = arith.constant 16 : index
        %get3A_299 = tpu.vector_load %arg9[%get3A_297, %get3A_298] {strides = array<i32>} : memref<128x128xf32, #tpu.memory_space<vmem>>, vector<16xf32>,
        %mul3A_300 = arith.mulf %gather3A_70, %get3A_299 : vector<16xf32>
        %add3A_301 = arith.addf %add3A_293, %mul3A_300 : vector<16xf32>
        %max3A_302 = arith.maximumf %max3A_294, %mul3A_300 : vector<16xf32>
        %add3A_303 = arith.constant 9 : i32
        %add3A_304 = arith.addi %mul3A_36, %add3A_303 : i32
        %get3A_305 = arith.index_cast %add3A_304 : i32 to index
        %get3A_306 = arith.constant 16 : index
        %get3A_307 = tpu.vector_load %arg9[%get3A_305, %get3A_306] {strides = array<i32>} : memref<128x128xf32, #tpu.memory_space<vmem>>, vector<16xf32>,
        %mul3A_308 = arith.mulf %gather3A_74, %get3A_307 : vector<16xf32>
        %add3A_309 = arith.addf %add3A_301, %mul3A_308 : vector<16xf32>
        %max3A_310 = arith.maximumf %max3A_302, %mul3A_308 : vector<16xf32>
        %add3A_311 = arith.constant 10 : i32
        %add3A_312 = arith.addi %mul3A_36, %add3A_311 : i32
        %get3A_313 = arith.index_cast %add3A_312 : i32 to index
        %get3A_314 = arith.constant 16 : index
        %get3A_315 = tpu.vector_load %arg9[%get3A_313, %get3A_314] {strides = array<i32>} : memref<128x128xf32, #tpu.memory_space<vmem>>, vector<16xf32>,
        %mul3A_316 = arith.mulf %gather3A_78, %get3A_315 : vector<16xf32>
        %add3A_317 = arith.addf %add3A_309, %mul3A_316 : vector<16xf32>
        %max3A_318 = arith.maximumf %max3A_310, %mul3A_316 : vector<16xf32>
        %add3A_319 = arith.constant 11 : i32
        %add3A_320 = arith.addi %mul3A_36, %add3A_319 : i32
        %get3A_321 = arith.index_cast %add3A_320 : i32 to index
        %get3A_322 = arith.constant 16 : index
        %get3A_323 = tpu.vector_load %arg9[%get3A_321, %get3A_322] {strides = array<i32>} : memref<128x128xf32, #tpu.memory_space<vmem>>, vector<16xf32>,
        %mul3A_324 = arith.mulf %gather3A_82, %get3A_323 : vector<16xf32>
        %add3A_325 = arith.addf %add3A_317, %mul3A_324 : vector<16xf32>
        %max3A_326 = arith.maximumf %max3A_318, %mul3A_324 : vector<16xf32>
        %add3A_327 = arith.constant 12 : i32
        %add3A_328 = arith.addi %mul3A_36, %add3A_327 : i32
        %get3A_329 = arith.index_cast %add3A_328 : i32 to index
        %get3A_330 = arith.constant 16 : index
        %get3A_331 = tpu.vector_load %arg9[%get3A_329, %get3A_330] {strides = array<i32>} : memref<128x128xf32, #tpu.memory_space<vmem>>, vector<16xf32>,
        %mul3A_332 = arith.mulf %gather3A_86, %get3A_331 : vector<16xf32>
        %add3A_333 = arith.addf %add3A_325, %mul3A_332 : vector<16xf32>
        %max3A_334 = arith.maximumf %max3A_326, %mul3A_332 : vector<16xf32>
        %add3A_335 = arith.constant 13 : i32
        %add3A_336 = arith.addi %mul3A_36, %add3A_335 : i32
        %get3A_337 = arith.index_cast %add3A_336 : i32 to index
        %get3A_338 = arith.constant 16 : index
        %get3A_339 = tpu.vector_load %arg9[%get3A_337, %get3A_338] {strides = array<i32>} : memref<128x128xf32, #tpu.memory_space<vmem>>, vector<16xf32>,
        %mul3A_340 = arith.mulf %gather3A_90, %get3A_339 : vector<16xf32>
        %add3A_341 = arith.addf %add3A_333, %mul3A_340 : vector<16xf32>
        %max3A_342 = arith.maximumf %max3A_334, %mul3A_340 : vector<16xf32>
        %add3A_343 = arith.constant 14 : i32
        %add3A_344 = arith.addi %mul3A_36, %add3A_343 : i32
        %get3A_345 = arith.index_cast %add3A_344 : i32 to index
        %get3A_346 = arith.constant 16 : index
        %get3A_347 = tpu.vector_load %arg9[%get3A_345, %get3A_346] {strides = array<i32>} : memref<128x128xf32, #tpu.memory_space<vmem>>, vector<16xf32>,
        %mul3A_348 = arith.mulf %gather3A_94, %get3A_347 : vector<16xf32>
        %add3A_349 = arith.addf %add3A_341, %mul3A_348 : vector<16xf32>
        %max3A_350 = arith.maximumf %max3A_342, %mul3A_348 : vector<16xf32>
        %add3A_351 = arith.constant 15 : i32
        %add3A_352 = arith.addi %mul3A_36, %add3A_351 : i32
        %get3A_353 = arith.index_cast %add3A_352 : i32 to index
        %get3A_354 = arith.constant 16 : index
        %get3A_355 = tpu.vector_load %arg9[%get3A_353, %get3A_354] {strides = array<i32>} : memref<128x128xf32, #tpu.memory_space<vmem>>, vector<16xf32>,
        %mul3A_356 = arith.mulf %gather3A_98, %get3A_355 : vector<16xf32>
        %add3A_357 = arith.addf %add3A_349, %mul3A_356 : vector<16xf32>
        %max3A_358 = arith.maximumf %max3A_350, %mul3A_356 : vector<16xf32>
        %mul3A_359 = arith.constant 6.250000e-02 : f32
        %mul3A_360 = vector.broadcast %mul3A_359 : f32 to vector<16xf32>
        %mul3A_361 = arith.mulf %add3A_357, %mul3A_360 : vector<16xf32>
        %mul3A_362 = arith.constant 128 : i32
        %mul3A_363 = arith.muli %scan3A_34, %mul3A_362 : i32
        %add3A_364 = arith.constant 16 : i32
        %add3A_365 = arith.addi %mul3A_363, %add3A_364 : i32
        %swap3A_366 = arith.index_cast %add3A_365 : i32 to index
        %swap3A_367 = tpu.vector_load %arg11[%swap3A_366] {strides = array<i32>} : memref<1024xf32, #tpu.memory_space<vmem>>, vector<16xf32>,
        tpu.vector_store %arg11[%swap3A_366], %mul3A_361 {strides = array<i32>} : memref<1024xf32, #tpu.memory_space<vmem>>, vector<16xf32>,
        %mul3A_368 = arith.constant 128 : i32
        %mul3A_369 = arith.muli %scan3A_34, %mul3A_368 : i32
        %add3A_370 = arith.constant 16 : i32
        %add3A_371 = arith.addi %mul3A_369, %add3A_370 : i32
        %swap3A_372 = arith.index_cast %add3A_371 : i32 to index
        %swap3A_373 = tpu.vector_load %arg12[%swap3A_372] {strides = array<i32>} : memref<1024xf32, #tpu.memory_space<vmem>>, vector<16xf32>,
        tpu.vector_store %arg12[%swap3A_372], %max3A_358 {strides = array<i32>} : memref<1024xf32, #tpu.memory_space<vmem>>, vector<16xf32>,
        %get3A_374 = arith.index_cast %mul3A_36 : i32 to index
        %get3A_375 = arith.constant 32 : index
        %get3A_376 = tpu.vector_load %arg9[%get3A_374, %get3A_375] {strides = array<i32>} : memref<128x128xf32, #tpu.memory_space<vmem>>, vector<16xf32>,
        %mul3A_377 = arith.mulf %gather3A, %get3A_376 : vector<16xf32>
        %add3A_378 = arith.constant 1 : i32
        %add3A_379 = arith.addi %mul3A_36, %add3A_378 : i32
        %get3A_380 = arith.index_cast %add3A_379 : i32 to index
        %get3A_381 = arith.constant 32 : index
        %get3A_382 = tpu.vector_load %arg9[%get3A_380, %get3A_381] {strides = array<i32>} : memref<128x128xf32, #tpu.memory_space<vmem>>, vector<16xf32>,
        %mul3A_383 = arith.mulf %gather3A_42, %get3A_382 : vector<16xf32>
        %add3A_384 = arith.addf %mul3A_377, %mul3A_383 : vector<16xf32>
        %max3A_385 = arith.maximumf %mul3A_377, %mul3A_383 : vector<16xf32>
        %add3A_386 = arith.constant 2 : i32
        %add3A_387 = arith.addi %mul3A_36, %add3A_386 : i32
        %get3A_388 = arith.index_cast %add3A_387 : i32 to index
        %get3A_389 = arith.constant 32 : index
        %get3A_390 = tpu.vector_load %arg9[%get3A_388, %get3A_389] {strides = array<i32>} : memref<128x128xf32, #tpu.memory_space<vmem>>, vector<16xf32>,
        %mul3A_391 = arith.mulf %gather3A_46, %get3A_390 : vector<16xf32>
        %add3A_392 = arith.addf %add3A_384, %mul3A_391 : vector<16xf32>
        %max3A_393 = arith.maximumf %max3A_385, %mul3A_391 : vector<16xf32>
        %add3A_394 = arith.constant 3 : i32
        %add3A_395 = arith.addi %mul3A_36, %add3A_394 : i32
        %get3A_396 = arith.index_cast %add3A_395 : i32 to index
        %get3A_397 = arith.constant 32 : index
        %get3A_398 = tpu.vector_load %arg9[%get3A_396, %get3A_397] {strides = array<i32>} : memref<128x128xf32, #tpu.memory_space<vmem>>, vector<16xf32>,
        %mul3A_399 = arith.mulf %gather3A_50, %get3A_398 : vector<16xf32>
        %add3A_400 = arith.addf %add3A_392, %mul3A_399 : vector<16xf32>
        %max3A_401 = arith.maximumf %max3A_393, %mul3A_399 : vector<16xf32>
        %add3A_402 = arith.constant 4 : i32
        %add3A_403 = arith.addi %mul3A_36, %add3A_402 : i32
        %get3A_404 = arith.index_cast %add3A_403 : i32 to index
        %get3A_405 = arith.constant 32 : index
        %get3A_406 = tpu.vector_load %arg9[%get3A_404, %get3A_405] {strides = array<i32>} : memref<128x128xf32, #tpu.memory_space<vmem>>, vector<16xf32>,
        %mul3A_407 = arith.mulf %gather3A_54, %get3A_406 : vector<16xf32>
        %add3A_408 = arith.addf %add3A_400, %mul3A_407 : vector<16xf32>
        %max3A_409 = arith.maximumf %max3A_401, %mul3A_407 : vector<16xf32>
        %add3A_410 = arith.constant 5 : i32
        %add3A_411 = arith.addi %mul3A_36, %add3A_410 : i32
        %get3A_412 = arith.index_cast %add3A_411 : i32 to index
        %get3A_413 = arith.constant 32 : index
        %get3A_414 = tpu.vector_load %arg9[%get3A_412, %get3A_413] {strides = array<i32>} : memref<128x128xf32, #tpu.memory_space<vmem>>, vector<16xf32>,
        %mul3A_415 = arith.mulf %gather3A_58, %get3A_414 : vector<16xf32>
        %add3A_416 = arith.addf %add3A_408, %mul3A_415 : vector<16xf32>
        %max3A_417 = arith.maximumf %max3A_409, %mul3A_415 : vector<16xf32>
        %add3A_418 = arith.constant 6 : i32
        %add3A_419 = arith.addi %mul3A_36, %add3A_418 : i32
        %get3A_420 = arith.index_cast %add3A_419 : i32 to index
        %get3A_421 = arith.constant 32 : index
        %get3A_422 = tpu.vector_load %arg9[%get3A_420, %get3A_421] {strides = array<i32>} : memref<128x128xf32, #tpu.memory_space<vmem>>, vector<16xf32>,
        %mul3A_423 = arith.mulf %gather3A_62, %get3A_422 : vector<16xf32>
        %add3A_424 = arith.addf %add3A_416, %mul3A_423 : vector<16xf32>
        %max3A_425 = arith.maximumf %max3A_417, %mul3A_423 : vector<16xf32>
        %add3A_426 = arith.constant 7 : i32
        %add3A_427 = arith.addi %mul3A_36, %add3A_426 : i32
        %get3A_428 = arith.index_cast %add3A_427 : i32 to index
        %get3A_429 = arith.constant 32 : index
        %get3A_430 = tpu.vector_load %arg9[%get3A_428, %get3A_429] {strides = array<i32>} : memref<128x128xf32, #tpu.memory_space<vmem>>, vector<16xf32>,
        %mul3A_431 = arith.mulf %gather3A_66, %get3A_430 : vector<16xf32>
        %add3A_432 = arith.addf %add3A_424, %mul3A_431 : vector<16xf32>
        %max3A_433 = arith.maximumf %max3A_425, %mul3A_431 : vector<16xf32>
        %add3A_434 = arith.constant 8 : i32
        %add3A_435 = arith.addi %mul3A_36, %add3A_434 : i32
        %get3A_436 = arith.index_cast %add3A_435 : i32 to index
        %get3A_437 = arith.constant 32 : index
        %get3A_438 = tpu.vector_load %arg9[%get3A_436, %get3A_437] {strides = array<i32>} : memref<128x128xf32, #tpu.memory_space<vmem>>, vector<16xf32>,
        %mul3A_439 = arith.mulf %gather3A_70, %get3A_438 : vector<16xf32>
        %add3A_440 = arith.addf %add3A_432, %mul3A_439 : vector<16xf32>
        %max3A_441 = arith.maximumf %max3A_433, %mul3A_439 : vector<16xf32>
        %add3A_442 = arith.constant 9 : i32
        %add3A_443 = arith.addi %mul3A_36, %add3A_442 : i32
        %get3A_444 = arith.index_cast %add3A_443 : i32 to index
        %get3A_445 = arith.constant 32 : index
        %get3A_446 = tpu.vector_load %arg9[%get3A_444, %get3A_445] {strides = array<i32>} : memref<128x128xf32, #tpu.memory_space<vmem>>, vector<16xf32>,
        %mul3A_447 = arith.mulf %gather3A_74, %get3A_446 : vector<16xf32>
        %add3A_448 = arith.addf %add3A_440, %mul3A_447 : vector<16xf32>
        %max3A_449 = arith.maximumf %max3A_441, %mul3A_447 : vector<16xf32>
        %add3A_450 = arith.constant 10 : i32
        %add3A_451 = arith.addi %mul3A_36, %add3A_450 : i32
        %get3A_452 = arith.index_cast %add3A_451 : i32 to index
        %get3A_453 = arith.constant 32 : index
        %get3A_454 = tpu.vector_load %arg9[%get3A_452, %get3A_453] {strides = array<i32>} : memref<128x128xf32, #tpu.memory_space<vmem>>, vector<16xf32>,
        %mul3A_455 = arith.mulf %gather3A_78, %get3A_454 : vector<16xf32>
        %add3A_456 = arith.addf %add3A_448, %mul3A_455 : vector<16xf32>
        %max3A_457 = arith.maximumf %max3A_449, %mul3A_455 : vector<16xf32>
        %add3A_458 = arith.constant 11 : i32
        %add3A_459 = arith.addi %mul3A_36, %add3A_458 : i32
        %get3A_460 = arith.index_cast %add3A_459 : i32 to index
        %get3A_461 = arith.constant 32 : index
        %get3A_462 = tpu.vector_load %arg9[%get3A_460, %get3A_461] {strides = array<i32>} : memref<128x128xf32, #tpu.memory_space<vmem>>, vector<16xf32>,
        %mul3A_463 = arith.mulf %gather3A_82, %get3A_462 : vector<16xf32>
        %add3A_464 = arith.addf %add3A_456, %mul3A_463 : vector<16xf32>
        %max3A_465 = arith.maximumf %max3A_457, %mul3A_463 : vector<16xf32>
        %add3A_466 = arith.constant 12 : i32
        %add3A_467 = arith.addi %mul3A_36, %add3A_466 : i32
        %get3A_468 = arith.index_cast %add3A_467 : i32 to index
        %get3A_469 = arith.constant 32 : index
        %get3A_470 = tpu.vector_load %arg9[%get3A_468, %get3A_469] {strides = array<i32>} : memref<128x128xf32, #tpu.memory_space<vmem>>, vector<16xf32>,
        %mul3A_471 = arith.mulf %gather3A_86, %get3A_470 : vector<16xf32>
        %add3A_472 = arith.addf %add3A_464, %mul3A_471 : vector<16xf32>
        %max3A_473 = arith.maximumf %max3A_465, %mul3A_471 : vector<16xf32>
        %add3A_474 = arith.constant 13 : i32
        %add3A_475 = arith.addi %mul3A_36, %add3A_474 : i32
        %get3A_476 = arith.index_cast %add3A_475 : i32 to index
        %get3A_477 = arith.constant 32 : index
        %get3A_478 = tpu.vector_load %arg9[%get3A_476, %get3A_477] {strides = array<i32>} : memref<128x128xf32, #tpu.memory_space<vmem>>, vector<16xf32>,
        %mul3A_479 = arith.mulf %gather3A_90, %get3A_478 : vector<16xf32>
        %add3A_480 = arith.addf %add3A_472, %mul3A_479 : vector<16xf32>
        %max3A_481 = arith.maximumf %max3A_473, %mul3A_479 : vector<16xf32>
        %add3A_482 = arith.constant 14 : i32
        %add3A_483 = arith.addi %mul3A_36, %add3A_482 : i32
        %get3A_484 = arith.index_cast %add3A_483 : i32 to index
        %get3A_485 = arith.constant 32 : index
        %get3A_486 = tpu.vector_load %arg9[%get3A_484, %get3A_485] {strides = array<i32>} : memref<128x128xf32, #tpu.memory_space<vmem>>, vector<16xf32>,
        %mul3A_487 = arith.mulf %gather3A_94, %get3A_486 : vector<16xf32>
        %add3A_488 = arith.addf %add3A_480, %mul3A_487 : vector<16xf32>
        %max3A_489 = arith.maximumf %max3A_481, %mul3A_487 : vector<16xf32>
        %add3A_490 = arith.constant 15 : i32
        %add3A_491 = arith.addi %mul3A_36, %add3A_490 : i32
        %get3A_492 = arith.index_cast %add3A_491 : i32 to index
        %get3A_493 = arith.constant 32 : index
        %get3A_494 = tpu.vector_load %arg9[%get3A_492, %get3A_493] {strides = array<i32>} : memref<128x128xf32, #tpu.memory_space<vmem>>, vector<16xf32>,
        %mul3A_495 = arith.mulf %gather3A_98, %get3A_494 : vector<16xf32>
        %add3A_496 = arith.addf %add3A_488, %mul3A_495 : vector<16xf32>
        %max3A_497 = arith.maximumf %max3A_489, %mul3A_495 : vector<16xf32>
        %mul3A_498 = arith.constant 6.250000e-02 : f32
        %mul3A_499 = vector.broadcast %mul3A_498 : f32 to vector<16xf32>
        %mul3A_500 = arith.mulf %add3A_496, %mul3A_499 : vector<16xf32>
        %mul3A_501 = arith.constant 128 : i32
        %mul3A_502 = arith.muli %scan3A_34, %mul3A_501 : i32
        %add3A_503 = arith.constant 32 : i32
        %add3A_504 = arith.addi %mul3A_502, %add3A_503 : i32
        %swap3A_505 = arith.index_cast %add3A_504 : i32 to index
        %swap3A_506 = tpu.vector_load %arg11[%swap3A_505] {strides = array<i32>} : memref<1024xf32, #tpu.memory_space<vmem>>, vector<16xf32>,
        tpu.vector_store %arg11[%swap3A_505], %mul3A_500 {strides = array<i32>} : memref<1024xf32, #tpu.memory_space<vmem>>, vector<16xf32>,
        %mul3A_507 = arith.constant 128 : i32
        %mul3A_508 = arith.muli %scan3A_34, %mul3A_507 : i32
        %add3A_509 = arith.constant 32 : i32
        %add3A_510 = arith.addi %mul3A_508, %add3A_509 : i32
        %swap3A_511 = arith.index_cast %add3A_510 : i32 to index
        %swap3A_512 = tpu.vector_load %arg12[%swap3A_511] {strides = array<i32>} : memref<1024xf32, #tpu.memory_space<vmem>>, vector<16xf32>,
        tpu.vector_store %arg12[%swap3A_511], %max3A_497 {strides = array<i32>} : memref<1024xf32, #tpu.memory_space<vmem>>, vector<16xf32>,
        %get3A_513 = arith.index_cast %mul3A_36 : i32 to index
        %get3A_514 = arith.constant 48 : index
        %get3A_515 = tpu.vector_load %arg9[%get3A_513, %get3A_514] {strides = array<i32>} : memref<128x128xf32, #tpu.memory_space<vmem>>, vector<16xf32>,
        %mul3A_516 = arith.mulf %gather3A, %get3A_515 : vector<16xf32>
        %add3A_517 = arith.constant 1 : i32
        %add3A_518 = arith.addi %mul3A_36, %add3A_517 : i32
        %get3A_519 = arith.index_cast %add3A_518 : i32 to index
        %get3A_520 = arith.constant 48 : index
        %get3A_521 = tpu.vector_load %arg9[%get3A_519, %get3A_520] {strides = array<i32>} : memref<128x128xf32, #tpu.memory_space<vmem>>, vector<16xf32>,
        %mul3A_522 = arith.mulf %gather3A_42, %get3A_521 : vector<16xf32>
        %add3A_523 = arith.addf %mul3A_516, %mul3A_522 : vector<16xf32>
        %max3A_524 = arith.maximumf %mul3A_516, %mul3A_522 : vector<16xf32>
        %add3A_525 = arith.constant 2 : i32
        %add3A_526 = arith.addi %mul3A_36, %add3A_525 : i32
        %get3A_527 = arith.index_cast %add3A_526 : i32 to index
        %get3A_528 = arith.constant 48 : index
        %get3A_529 = tpu.vector_load %arg9[%get3A_527, %get3A_528] {strides = array<i32>} : memref<128x128xf32, #tpu.memory_space<vmem>>, vector<16xf32>,
        %mul3A_530 = arith.mulf %gather3A_46, %get3A_529 : vector<16xf32>
        %add3A_531 = arith.addf %add3A_523, %mul3A_530 : vector<16xf32>
        %max3A_532 = arith.maximumf %max3A_524, %mul3A_530 : vector<16xf32>
        %add3A_533 = arith.constant 3 : i32
        %add3A_534 = arith.addi %mul3A_36, %add3A_533 : i32
        %get3A_535 = arith.index_cast %add3A_534 : i32 to index
        %get3A_536 = arith.constant 48 : index
        %get3A_537 = tpu.vector_load %arg9[%get3A_535, %get3A_536] {strides = array<i32>} : memref<128x128xf32, #tpu.memory_space<vmem>>, vector<16xf32>,
        %mul3A_538 = arith.mulf %gather3A_50, %get3A_537 : vector<16xf32>
        %add3A_539 = arith.addf %add3A_531, %mul3A_538 : vector<16xf32>
        %max3A_540 = arith.maximumf %max3A_532, %mul3A_538 : vector<16xf32>
        %add3A_541 = arith.constant 4 : i32
        %add3A_542 = arith.addi %mul3A_36, %add3A_541 : i32
        %get3A_543 = arith.index_cast %add3A_542 : i32 to index
        %get3A_544 = arith.constant 48 : index
        %get3A_545 = tpu.vector_load %arg9[%get3A_543, %get3A_544] {strides = array<i32>} : memref<128x128xf32, #tpu.memory_space<vmem>>, vector<16xf32>,
        %mul3A_546 = arith.mulf %gather3A_54, %get3A_545 : vector<16xf32>
        %add3A_547 = arith.addf %add3A_539, %mul3A_546 : vector<16xf32>
        %max3A_548 = arith.maximumf %max3A_540, %mul3A_546 : vector<16xf32>
        %add3A_549 = arith.constant 5 : i32
        %add3A_550 = arith.addi %mul3A_36, %add3A_549 : i32
        %get3A_551 = arith.index_cast %add3A_550 : i32 to index
        %get3A_552 = arith.constant 48 : index
        %get3A_553 = tpu.vector_load %arg9[%get3A_551, %get3A_552] {strides = array<i32>} : memref<128x128xf32, #tpu.memory_space<vmem>>, vector<16xf32>,
        %mul3A_554 = arith.mulf %gather3A_58, %get3A_553 : vector<16xf32>
        %add3A_555 = arith.addf %add3A_547, %mul3A_554 : vector<16xf32>
        %max3A_556 = arith.maximumf %max3A_548, %mul3A_554 : vector<16xf32>
        %add3A_557 = arith.constant 6 : i32
        %add3A_558 = arith.addi %mul3A_36, %add3A_557 : i32
        %get3A_559 = arith.index_cast %add3A_558 : i32 to index
        %get3A_560 = arith.constant 48 : index
        %get3A_561 = tpu.vector_load %arg9[%get3A_559, %get3A_560] {strides = array<i32>} : memref<128x128xf32, #tpu.memory_space<vmem>>, vector<16xf32>,
        %mul3A_562 = arith.mulf %gather3A_62, %get3A_561 : vector<16xf32>
        %add3A_563 = arith.addf %add3A_555, %mul3A_562 : vector<16xf32>
        %max3A_564 = arith.maximumf %max3A_556, %mul3A_562 : vector<16xf32>
        %add3A_565 = arith.constant 7 : i32
        %add3A_566 = arith.addi %mul3A_36, %add3A_565 : i32
        %get3A_567 = arith.index_cast %add3A_566 : i32 to index
        %get3A_568 = arith.constant 48 : index
        %get3A_569 = tpu.vector_load %arg9[%get3A_567, %get3A_568] {strides = array<i32>} : memref<128x128xf32, #tpu.memory_space<vmem>>, vector<16xf32>,
        %mul3A_570 = arith.mulf %gather3A_66, %get3A_569 : vector<16xf32>
        %add3A_571 = arith.addf %add3A_563, %mul3A_570 : vector<16xf32>
        %max3A_572 = arith.maximumf %max3A_564, %mul3A_570 : vector<16xf32>
        %add3A_573 = arith.constant 8 : i32
        %add3A_574 = arith.addi %mul3A_36, %add3A_573 : i32
        %get3A_575 = arith.index_cast %add3A_574 : i32 to index
        %get3A_576 = arith.constant 48 : index
        %get3A_577 = tpu.vector_load %arg9[%get3A_575, %get3A_576] {strides = array<i32>} : memref<128x128xf32, #tpu.memory_space<vmem>>, vector<16xf32>,
        %mul3A_578 = arith.mulf %gather3A_70, %get3A_577 : vector<16xf32>
        %add3A_579 = arith.addf %add3A_571, %mul3A_578 : vector<16xf32>
        %max3A_580 = arith.maximumf %max3A_572, %mul3A_578 : vector<16xf32>
        %add3A_581 = arith.constant 9 : i32
        %add3A_582 = arith.addi %mul3A_36, %add3A_581 : i32
        %get3A_583 = arith.index_cast %add3A_582 : i32 to index
        %get3A_584 = arith.constant 48 : index
        %get3A_585 = tpu.vector_load %arg9[%get3A_583, %get3A_584] {strides = array<i32>} : memref<128x128xf32, #tpu.memory_space<vmem>>, vector<16xf32>,
        %mul3A_586 = arith.mulf %gather3A_74, %get3A_585 : vector<16xf32>
        %add3A_587 = arith.addf %add3A_579, %mul3A_586 : vector<16xf32>
        %max3A_588 = arith.maximumf %max3A_580, %mul3A_586 : vector<16xf32>
        %add3A_589 = arith.constant 10 : i32
        %add3A_590 = arith.addi %mul3A_36, %add3A_589 : i32
        %get3A_591 = arith.index_cast %add3A_590 : i32 to index
        %get3A_592 = arith.constant 48 : index
        %get3A_593 = tpu.vector_load %arg9[%get3A_591, %get3A_592] {strides = array<i32>} : memref<128x128xf32, #tpu.memory_space<vmem>>, vector<16xf32>,
        %mul3A_594 = arith.mulf %gather3A_78, %get3A_593 : vector<16xf32>
        %add3A_595 = arith.addf %add3A_587, %mul3A_594 : vector<16xf32>
        %max3A_596 = arith.maximumf %max3A_588, %mul3A_594 : vector<16xf32>
        %add3A_597 = arith.constant 11 : i32
        %add3A_598 = arith.addi %mul3A_36, %add3A_597 : i32
        %get3A_599 = arith.index_cast %add3A_598 : i32 to index
        %get3A_600 = arith.constant 48 : index
        %get3A_601 = tpu.vector_load %arg9[%get3A_599, %get3A_600] {strides = array<i32>} : memref<128x128xf32, #tpu.memory_space<vmem>>, vector<16xf32>,
        %mul3A_602 = arith.mulf %gather3A_82, %get3A_601 : vector<16xf32>
        %add3A_603 = arith.addf %add3A_595, %mul3A_602 : vector<16xf32>
        %max3A_604 = arith.maximumf %max3A_596, %mul3A_602 : vector<16xf32>
        %add3A_605 = arith.constant 12 : i32
        %add3A_606 = arith.addi %mul3A_36, %add3A_605 : i32
        %get3A_607 = arith.index_cast %add3A_606 : i32 to index
        %get3A_608 = arith.constant 48 : index
        %get3A_609 = tpu.vector_load %arg9[%get3A_607, %get3A_608] {strides = array<i32>} : memref<128x128xf32, #tpu.memory_space<vmem>>, vector<16xf32>,
        %mul3A_610 = arith.mulf %gather3A_86, %get3A_609 : vector<16xf32>
        %add3A_611 = arith.addf %add3A_603, %mul3A_610 : vector<16xf32>
        %max3A_612 = arith.maximumf %max3A_604, %mul3A_610 : vector<16xf32>
        %add3A_613 = arith.constant 13 : i32
        %add3A_614 = arith.addi %mul3A_36, %add3A_613 : i32
        %get3A_615 = arith.index_cast %add3A_614 : i32 to index
        %get3A_616 = arith.constant 48 : index
        %get3A_617 = tpu.vector_load %arg9[%get3A_615, %get3A_616] {strides = array<i32>} : memref<128x128xf32, #tpu.memory_space<vmem>>, vector<16xf32>,
        %mul3A_618 = arith.mulf %gather3A_90, %get3A_617 : vector<16xf32>
        %add3A_619 = arith.addf %add3A_611, %mul3A_618 : vector<16xf32>
        %max3A_620 = arith.maximumf %max3A_612, %mul3A_618 : vector<16xf32>
        %add3A_621 = arith.constant 14 : i32
        %add3A_622 = arith.addi %mul3A_36, %add3A_621 : i32
        %get3A_623 = arith.index_cast %add3A_622 : i32 to index
        %get3A_624 = arith.constant 48 : index
        %get3A_625 = tpu.vector_load %arg9[%get3A_623, %get3A_624] {strides = array<i32>} : memref<128x128xf32, #tpu.memory_space<vmem>>, vector<16xf32>,
        %mul3A_626 = arith.mulf %gather3A_94, %get3A_625 : vector<16xf32>
        %add3A_627 = arith.addf %add3A_619, %mul3A_626 : vector<16xf32>
        %max3A_628 = arith.maximumf %max3A_620, %mul3A_626 : vector<16xf32>
        %add3A_629 = arith.constant 15 : i32
        %add3A_630 = arith.addi %mul3A_36, %add3A_629 : i32
        %get3A_631 = arith.index_cast %add3A_630 : i32 to index
        %get3A_632 = arith.constant 48 : index
        %get3A_633 = tpu.vector_load %arg9[%get3A_631, %get3A_632] {strides = array<i32>} : memref<128x128xf32, #tpu.memory_space<vmem>>, vector<16xf32>,
        %mul3A_634 = arith.mulf %gather3A_98, %get3A_633 : vector<16xf32>
        %add3A_635 = arith.addf %add3A_627, %mul3A_634 : vector<16xf32>
        %max3A_636 = arith.maximumf %max3A_628, %mul3A_634 : vector<16xf32>
        %mul3A_637 = arith.constant 6.250000e-02 : f32
        %mul3A_638 = vector.broadcast %mul3A_637 : f32 to vector<16xf32>
        %mul3A_639 = arith.mulf %add3A_635, %mul3A_638 : vector<16xf32>
        %mul3A_640 = arith.constant 128 : i32
        %mul3A_641 = arith.muli %scan3A_34, %mul3A_640 : i32
        %add3A_642 = arith.constant 48 : i32
        %add3A_643 = arith.addi %mul3A_641, %add3A_642 : i32
        %swap3A_644 = arith.index_cast %add3A_643 : i32 to index
        %swap3A_645 = tpu.vector_load %arg11[%swap3A_644] {strides = array<i32>} : memref<1024xf32, #tpu.memory_space<vmem>>, vector<16xf32>,
        tpu.vector_store %arg11[%swap3A_644], %mul3A_639 {strides = array<i32>} : memref<1024xf32, #tpu.memory_space<vmem>>, vector<16xf32>,
        %mul3A_646 = arith.constant 128 : i32
        %mul3A_647 = arith.muli %scan3A_34, %mul3A_646 : i32
        %add3A_648 = arith.constant 48 : i32
        %add3A_649 = arith.addi %mul3A_647, %add3A_648 : i32
        %swap3A_650 = arith.index_cast %add3A_649 : i32 to index
        %swap3A_651 = tpu.vector_load %arg12[%swap3A_650] {strides = array<i32>} : memref<1024xf32, #tpu.memory_space<vmem>>, vector<16xf32>,
        tpu.vector_store %arg12[%swap3A_650], %max3A_636 {strides = array<i32>} : memref<1024xf32, #tpu.memory_space<vmem>>, vector<16xf32>,
        %get3A_652 = arith.index_cast %mul3A_36 : i32 to index
        %get3A_653 = arith.constant 64 : index
        %get3A_654 = tpu.vector_load %arg9[%get3A_652, %get3A_653] {strides = array<i32>} : memref<128x128xf32, #tpu.memory_space<vmem>>, vector<16xf32>,
        %mul3A_655 = arith.mulf %gather3A, %get3A_654 : vector<16xf32>
        %add3A_656 = arith.constant 1 : i32
        %add3A_657 = arith.addi %mul3A_36, %add3A_656 : i32
        %get3A_658 = arith.index_cast %add3A_657 : i32 to index
        %get3A_659 = arith.constant 64 : index
        %get3A_660 = tpu.vector_load %arg9[%get3A_658, %get3A_659] {strides = array<i32>} : memref<128x128xf32, #tpu.memory_space<vmem>>, vector<16xf32>,
        %mul3A_661 = arith.mulf %gather3A_42, %get3A_660 : vector<16xf32>
        %add3A_662 = arith.addf %mul3A_655, %mul3A_661 : vector<16xf32>
        %max3A_663 = arith.maximumf %mul3A_655, %mul3A_661 : vector<16xf32>
        %add3A_664 = arith.constant 2 : i32
        %add3A_665 = arith.addi %mul3A_36, %add3A_664 : i32
        %get3A_666 = arith.index_cast %add3A_665 : i32 to index
        %get3A_667 = arith.constant 64 : index
        %get3A_668 = tpu.vector_load %arg9[%get3A_666, %get3A_667] {strides = array<i32>} : memref<128x128xf32, #tpu.memory_space<vmem>>, vector<16xf32>,
        %mul3A_669 = arith.mulf %gather3A_46, %get3A_668 : vector<16xf32>
        %add3A_670 = arith.addf %add3A_662, %mul3A_669 : vector<16xf32>
        %max3A_671 = arith.maximumf %max3A_663, %mul3A_669 : vector<16xf32>
        %add3A_672 = arith.constant 3 : i32
        %add3A_673 = arith.addi %mul3A_36, %add3A_672 : i32
        %get3A_674 = arith.index_cast %add3A_673 : i32 to index
        %get3A_675 = arith.constant 64 : index
        %get3A_676 = tpu.vector_load %arg9[%get3A_674, %get3A_675] {strides = array<i32>} : memref<128x128xf32, #tpu.memory_space<vmem>>, vector<16xf32>,
        %mul3A_677 = arith.mulf %gather3A_50, %get3A_676 : vector<16xf32>
        %add3A_678 = arith.addf %add3A_670, %mul3A_677 : vector<16xf32>
        %max3A_679 = arith.maximumf %max3A_671, %mul3A_677 : vector<16xf32>
        %add3A_680 = arith.constant 4 : i32
        %add3A_681 = arith.addi %mul3A_36, %add3A_680 : i32
        %get3A_682 = arith.index_cast %add3A_681 : i32 to index
        %get3A_683 = arith.constant 64 : index
        %get3A_684 = tpu.vector_load %arg9[%get3A_682, %get3A_683] {strides = array<i32>} : memref<128x128xf32, #tpu.memory_space<vmem>>, vector<16xf32>,
        %mul3A_685 = arith.mulf %gather3A_54, %get3A_684 : vector<16xf32>
        %add3A_686 = arith.addf %add3A_678, %mul3A_685 : vector<16xf32>
        %max3A_687 = arith.maximumf %max3A_679, %mul3A_685 : vector<16xf32>
        %add3A_688 = arith.constant 5 : i32
        %add3A_689 = arith.addi %mul3A_36, %add3A_688 : i32
        %get3A_690 = arith.index_cast %add3A_689 : i32 to index
        %get3A_691 = arith.constant 64 : index
        %get3A_692 = tpu.vector_load %arg9[%get3A_690, %get3A_691] {strides = array<i32>} : memref<128x128xf32, #tpu.memory_space<vmem>>, vector<16xf32>,
        %mul3A_693 = arith.mulf %gather3A_58, %get3A_692 : vector<16xf32>
        %add3A_694 = arith.addf %add3A_686, %mul3A_693 : vector<16xf32>
        %max3A_695 = arith.maximumf %max3A_687, %mul3A_693 : vector<16xf32>
        %add3A_696 = arith.constant 6 : i32
        %add3A_697 = arith.addi %mul3A_36, %add3A_696 : i32
        %get3A_698 = arith.index_cast %add3A_697 : i32 to index
        %get3A_699 = arith.constant 64 : index
        %get3A_700 = tpu.vector_load %arg9[%get3A_698, %get3A_699] {strides = array<i32>} : memref<128x128xf32, #tpu.memory_space<vmem>>, vector<16xf32>,
        %mul3A_701 = arith.mulf %gather3A_62, %get3A_700 : vector<16xf32>
        %add3A_702 = arith.addf %add3A_694, %mul3A_701 : vector<16xf32>
        %max3A_703 = arith.maximumf %max3A_695, %mul3A_701 : vector<16xf32>
        %add3A_704 = arith.constant 7 : i32
        %add3A_705 = arith.addi %mul3A_36, %add3A_704 : i32
        %get3A_706 = arith.index_cast %add3A_705 : i32 to index
        %get3A_707 = arith.constant 64 : index
        %get3A_708 = tpu.vector_load %arg9[%get3A_706, %get3A_707] {strides = array<i32>} : memref<128x128xf32, #tpu.memory_space<vmem>>, vector<16xf32>,
        %mul3A_709 = arith.mulf %gather3A_66, %get3A_708 : vector<16xf32>
        %add3A_710 = arith.addf %add3A_702, %mul3A_709 : vector<16xf32>
        %max3A_711 = arith.maximumf %max3A_703, %mul3A_709 : vector<16xf32>
        %add3A_712 = arith.constant 8 : i32
        %add3A_713 = arith.addi %mul3A_36, %add3A_712 : i32
        %get3A_714 = arith.index_cast %add3A_713 : i32 to index
        %get3A_715 = arith.constant 64 : index
        %get3A_716 = tpu.vector_load %arg9[%get3A_714, %get3A_715] {strides = array<i32>} : memref<128x128xf32, #tpu.memory_space<vmem>>, vector<16xf32>,
        %mul3A_717 = arith.mulf %gather3A_70, %get3A_716 : vector<16xf32>
        %add3A_718 = arith.addf %add3A_710, %mul3A_717 : vector<16xf32>
        %max3A_719 = arith.maximumf %max3A_711, %mul3A_717 : vector<16xf32>
        %add3A_720 = arith.constant 9 : i32
        %add3A_721 = arith.addi %mul3A_36, %add3A_720 : i32
        %get3A_722 = arith.index_cast %add3A_721 : i32 to index
        %get3A_723 = arith.constant 64 : index
        %get3A_724 = tpu.vector_load %arg9[%get3A_722, %get3A_723] {strides = array<i32>} : memref<128x128xf32, #tpu.memory_space<vmem>>, vector<16xf32>,
        %mul3A_725 = arith.mulf %gather3A_74, %get3A_724 : vector<16xf32>
        %add3A_726 = arith.addf %add3A_718, %mul3A_725 : vector<16xf32>
        %max3A_727 = arith.maximumf %max3A_719, %mul3A_725 : vector<16xf32>
        %add3A_728 = arith.constant 10 : i32
        %add3A_729 = arith.addi %mul3A_36, %add3A_728 : i32
        %get3A_730 = arith.index_cast %add3A_729 : i32 to index
        %get3A_731 = arith.constant 64 : index
        %get3A_732 = tpu.vector_load %arg9[%get3A_730, %get3A_731] {strides = array<i32>} : memref<128x128xf32, #tpu.memory_space<vmem>>, vector<16xf32>,
        %mul3A_733 = arith.mulf %gather3A_78, %get3A_732 : vector<16xf32>
        %add3A_734 = arith.addf %add3A_726, %mul3A_733 : vector<16xf32>
        %max3A_735 = arith.maximumf %max3A_727, %mul3A_733 : vector<16xf32>
        %add3A_736 = arith.constant 11 : i32
        %add3A_737 = arith.addi %mul3A_36, %add3A_736 : i32
        %get3A_738 = arith.index_cast %add3A_737 : i32 to index
        %get3A_739 = arith.constant 64 : index
        %get3A_740 = tpu.vector_load %arg9[%get3A_738, %get3A_739] {strides = array<i32>} : memref<128x128xf32, #tpu.memory_space<vmem>>, vector<16xf32>,
        %mul3A_741 = arith.mulf %gather3A_82, %get3A_740 : vector<16xf32>
        %add3A_742 = arith.addf %add3A_734, %mul3A_741 : vector<16xf32>
        %max3A_743 = arith.maximumf %max3A_735, %mul3A_741 : vector<16xf32>
        %add3A_744 = arith.constant 12 : i32
        %add3A_745 = arith.addi %mul3A_36, %add3A_744 : i32
        %get3A_746 = arith.index_cast %add3A_745 : i32 to index
        %get3A_747 = arith.constant 64 : index
        %get3A_748 = tpu.vector_load %arg9[%get3A_746, %get3A_747] {strides = array<i32>} : memref<128x128xf32, #tpu.memory_space<vmem>>, vector<16xf32>,
        %mul3A_749 = arith.mulf %gather3A_86, %get3A_748 : vector<16xf32>
        %add3A_750 = arith.addf %add3A_742, %mul3A_749 : vector<16xf32>
        %max3A_751 = arith.maximumf %max3A_743, %mul3A_749 : vector<16xf32>
        %add3A_752 = arith.constant 13 : i32
        %add3A_753 = arith.addi %mul3A_36, %add3A_752 : i32
        %get3A_754 = arith.index_cast %add3A_753 : i32 to index
        %get3A_755 = arith.constant 64 : index
        %get3A_756 = tpu.vector_load %arg9[%get3A_754, %get3A_755] {strides = array<i32>} : memref<128x128xf32, #tpu.memory_space<vmem>>, vector<16xf32>,
        %mul3A_757 = arith.mulf %gather3A_90, %get3A_756 : vector<16xf32>
        %add3A_758 = arith.addf %add3A_750, %mul3A_757 : vector<16xf32>
        %max3A_759 = arith.maximumf %max3A_751, %mul3A_757 : vector<16xf32>
        %add3A_760 = arith.constant 14 : i32
        %add3A_761 = arith.addi %mul3A_36, %add3A_760 : i32
        %get3A_762 = arith.index_cast %add3A_761 : i32 to index
        %get3A_763 = arith.constant 64 : index
        %get3A_764 = tpu.vector_load %arg9[%get3A_762, %get3A_763] {strides = array<i32>} : memref<128x128xf32, #tpu.memory_space<vmem>>, vector<16xf32>,
        %mul3A_765 = arith.mulf %gather3A_94, %get3A_764 : vector<16xf32>
        %add3A_766 = arith.addf %add3A_758, %mul3A_765 : vector<16xf32>
        %max3A_767 = arith.maximumf %max3A_759, %mul3A_765 : vector<16xf32>
        %add3A_768 = arith.constant 15 : i32
        %add3A_769 = arith.addi %mul3A_36, %add3A_768 : i32
        %get3A_770 = arith.index_cast %add3A_769 : i32 to index
        %get3A_771 = arith.constant 64 : index
        %get3A_772 = tpu.vector_load %arg9[%get3A_770, %get3A_771] {strides = array<i32>} : memref<128x128xf32, #tpu.memory_space<vmem>>, vector<16xf32>,
        %mul3A_773 = arith.mulf %gather3A_98, %get3A_772 : vector<16xf32>
        %add3A_774 = arith.addf %add3A_766, %mul3A_773 : vector<16xf32>
        %max3A_775 = arith.maximumf %max3A_767, %mul3A_773 : vector<16xf32>
        %mul3A_776 = arith.constant 6.250000e-02 : f32
        %mul3A_777 = vector.broadcast %mul3A_776 : f32 to vector<16xf32>
        %mul3A_778 = arith.mulf %add3A_774, %mul3A_777 : vector<16xf32>
        %mul3A_779 = arith.constant 128 : i32
        %mul3A_780 = arith.muli %scan3A_34, %mul3A_779 : i32
        %add3A_781 = arith.constant 64 : i32
        %add3A_782 = arith.addi %mul3A_780, %add3A_781 : i32
        %swap3A_783 = arith.index_cast %add3A_782 : i32 to index
        %swap3A_784 = tpu.vector_load %arg11[%swap3A_783] {strides = array<i32>} : memref<1024xf32, #tpu.memory_space<vmem>>, vector<16xf32>,
        tpu.vector_store %arg11[%swap3A_783], %mul3A_778 {strides = array<i32>} : memref<1024xf32, #tpu.memory_space<vmem>>, vector<16xf32>,
        %mul3A_785 = arith.constant 128 : i32
        %mul3A_786 = arith.muli %scan3A_34, %mul3A_785 : i32
        %add3A_787 = arith.constant 64 : i32
        %add3A_788 = arith.addi %mul3A_786, %add3A_787 : i32
        %swap3A_789 = arith.index_cast %add3A_788 : i32 to index
        %swap3A_790 = tpu.vector_load %arg12[%swap3A_789] {strides = array<i32>} : memref<1024xf32, #tpu.memory_space<vmem>>, vector<16xf32>,
        tpu.vector_store %arg12[%swap3A_789], %max3A_775 {strides = array<i32>} : memref<1024xf32, #tpu.memory_space<vmem>>, vector<16xf32>,
        %get3A_791 = arith.index_cast %mul3A_36 : i32 to index
        %get3A_792 = arith.constant 80 : index
        %get3A_793 = tpu.vector_load %arg9[%get3A_791, %get3A_792] {strides = array<i32>} : memref<128x128xf32, #tpu.memory_space<vmem>>, vector<16xf32>,
        %mul3A_794 = arith.mulf %gather3A, %get3A_793 : vector<16xf32>
        %add3A_795 = arith.constant 1 : i32
        %add3A_796 = arith.addi %mul3A_36, %add3A_795 : i32
        %get3A_797 = arith.index_cast %add3A_796 : i32 to index
        %get3A_798 = arith.constant 80 : index
        %get3A_799 = tpu.vector_load %arg9[%get3A_797, %get3A_798] {strides = array<i32>} : memref<128x128xf32, #tpu.memory_space<vmem>>, vector<16xf32>,
        %mul3A_800 = arith.mulf %gather3A_42, %get3A_799 : vector<16xf32>
        %add3A_801 = arith.addf %mul3A_794, %mul3A_800 : vector<16xf32>
        %max3A_802 = arith.maximumf %mul3A_794, %mul3A_800 : vector<16xf32>
        %add3A_803 = arith.constant 2 : i32
        %add3A_804 = arith.addi %mul3A_36, %add3A_803 : i32
        %get3A_805 = arith.index_cast %add3A_804 : i32 to index
        %get3A_806 = arith.constant 80 : index
        %get3A_807 = tpu.vector_load %arg9[%get3A_805, %get3A_806] {strides = array<i32>} : memref<128x128xf32, #tpu.memory_space<vmem>>, vector<16xf32>,
        %mul3A_808 = arith.mulf %gather3A_46, %get3A_807 : vector<16xf32>
        %add3A_809 = arith.addf %add3A_801, %mul3A_808 : vector<16xf32>
        %max3A_810 = arith.maximumf %max3A_802, %mul3A_808 : vector<16xf32>
        %add3A_811 = arith.constant 3 : i32
        %add3A_812 = arith.addi %mul3A_36, %add3A_811 : i32
        %get3A_813 = arith.index_cast %add3A_812 : i32 to index
        %get3A_814 = arith.constant 80 : index
        %get3A_815 = tpu.vector_load %arg9[%get3A_813, %get3A_814] {strides = array<i32>} : memref<128x128xf32, #tpu.memory_space<vmem>>, vector<16xf32>,
        %mul3A_816 = arith.mulf %gather3A_50, %get3A_815 : vector<16xf32>
        %add3A_817 = arith.addf %add3A_809, %mul3A_816 : vector<16xf32>
        %max3A_818 = arith.maximumf %max3A_810, %mul3A_816 : vector<16xf32>
        %add3A_819 = arith.constant 4 : i32
        %add3A_820 = arith.addi %mul3A_36, %add3A_819 : i32
        %get3A_821 = arith.index_cast %add3A_820 : i32 to index
        %get3A_822 = arith.constant 80 : index
        %get3A_823 = tpu.vector_load %arg9[%get3A_821, %get3A_822] {strides = array<i32>} : memref<128x128xf32, #tpu.memory_space<vmem>>, vector<16xf32>,
        %mul3A_824 = arith.mulf %gather3A_54, %get3A_823 : vector<16xf32>
        %add3A_825 = arith.addf %add3A_817, %mul3A_824 : vector<16xf32>
        %max3A_826 = arith.maximumf %max3A_818, %mul3A_824 : vector<16xf32>
        %add3A_827 = arith.constant 5 : i32
        %add3A_828 = arith.addi %mul3A_36, %add3A_827 : i32
        %get3A_829 = arith.index_cast %add3A_828 : i32 to index
        %get3A_830 = arith.constant 80 : index
        %get3A_831 = tpu.vector_load %arg9[%get3A_829, %get3A_830] {strides = array<i32>} : memref<128x128xf32, #tpu.memory_space<vmem>>, vector<16xf32>,
        %mul3A_832 = arith.mulf %gather3A_58, %get3A_831 : vector<16xf32>
        %add3A_833 = arith.addf %add3A_825, %mul3A_832 : vector<16xf32>
        %max3A_834 = arith.maximumf %max3A_826, %mul3A_832 : vector<16xf32>
        %add3A_835 = arith.constant 6 : i32
        %add3A_836 = arith.addi %mul3A_36, %add3A_835 : i32
        %get3A_837 = arith.index_cast %add3A_836 : i32 to index
        %get3A_838 = arith.constant 80 : index
        %get3A_839 = tpu.vector_load %arg9[%get3A_837, %get3A_838] {strides = array<i32>} : memref<128x128xf32, #tpu.memory_space<vmem>>, vector<16xf32>,
        %mul3A_840 = arith.mulf %gather3A_62, %get3A_839 : vector<16xf32>
        %add3A_841 = arith.addf %add3A_833, %mul3A_840 : vector<16xf32>
        %max3A_842 = arith.maximumf %max3A_834, %mul3A_840 : vector<16xf32>
        %add3A_843 = arith.constant 7 : i32
        %add3A_844 = arith.addi %mul3A_36, %add3A_843 : i32
        %get3A_845 = arith.index_cast %add3A_844 : i32 to index
        %get3A_846 = arith.constant 80 : index
        %get3A_847 = tpu.vector_load %arg9[%get3A_845, %get3A_846] {strides = array<i32>} : memref<128x128xf32, #tpu.memory_space<vmem>>, vector<16xf32>,
        %mul3A_848 = arith.mulf %gather3A_66, %get3A_847 : vector<16xf32>
        %add3A_849 = arith.addf %add3A_841, %mul3A_848 : vector<16xf32>
        %max3A_850 = arith.maximumf %max3A_842, %mul3A_848 : vector<16xf32>
        %add3A_851 = arith.constant 8 : i32
        %add3A_852 = arith.addi %mul3A_36, %add3A_851 : i32
        %get3A_853 = arith.index_cast %add3A_852 : i32 to index
        %get3A_854 = arith.constant 80 : index
        %get3A_855 = tpu.vector_load %arg9[%get3A_853, %get3A_854] {strides = array<i32>} : memref<128x128xf32, #tpu.memory_space<vmem>>, vector<16xf32>,
        %mul3A_856 = arith.mulf %gather3A_70, %get3A_855 : vector<16xf32>
        %add3A_857 = arith.addf %add3A_849, %mul3A_856 : vector<16xf32>
        %max3A_858 = arith.maximumf %max3A_850, %mul3A_856 : vector<16xf32>
        %add3A_859 = arith.constant 9 : i32
        %add3A_860 = arith.addi %mul3A_36, %add3A_859 : i32
        %get3A_861 = arith.index_cast %add3A_860 : i32 to index
        %get3A_862 = arith.constant 80 : index
        %get3A_863 = tpu.vector_load %arg9[%get3A_861, %get3A_862] {strides = array<i32>} : memref<128x128xf32, #tpu.memory_space<vmem>>, vector<16xf32>,
        %mul3A_864 = arith.mulf %gather3A_74, %get3A_863 : vector<16xf32>
        %add3A_865 = arith.addf %add3A_857, %mul3A_864 : vector<16xf32>
        %max3A_866 = arith.maximumf %max3A_858, %mul3A_864 : vector<16xf32>
        %add3A_867 = arith.constant 10 : i32
        %add3A_868 = arith.addi %mul3A_36, %add3A_867 : i32
        %get3A_869 = arith.index_cast %add3A_868 : i32 to index
        %get3A_870 = arith.constant 80 : index
        %get3A_871 = tpu.vector_load %arg9[%get3A_869, %get3A_870] {strides = array<i32>} : memref<128x128xf32, #tpu.memory_space<vmem>>, vector<16xf32>,
        %mul3A_872 = arith.mulf %gather3A_78, %get3A_871 : vector<16xf32>
        %add3A_873 = arith.addf %add3A_865, %mul3A_872 : vector<16xf32>
        %max3A_874 = arith.maximumf %max3A_866, %mul3A_872 : vector<16xf32>
        %add3A_875 = arith.constant 11 : i32
        %add3A_876 = arith.addi %mul3A_36, %add3A_875 : i32
        %get3A_877 = arith.index_cast %add3A_876 : i32 to index
        %get3A_878 = arith.constant 80 : index
        %get3A_879 = tpu.vector_load %arg9[%get3A_877, %get3A_878] {strides = array<i32>} : memref<128x128xf32, #tpu.memory_space<vmem>>, vector<16xf32>,
        %mul3A_880 = arith.mulf %gather3A_82, %get3A_879 : vector<16xf32>
        %add3A_881 = arith.addf %add3A_873, %mul3A_880 : vector<16xf32>
        %max3A_882 = arith.maximumf %max3A_874, %mul3A_880 : vector<16xf32>
        %add3A_883 = arith.constant 12 : i32
        %add3A_884 = arith.addi %mul3A_36, %add3A_883 : i32
        %get3A_885 = arith.index_cast %add3A_884 : i32 to index
        %get3A_886 = arith.constant 80 : index
        %get3A_887 = tpu.vector_load %arg9[%get3A_885, %get3A_886] {strides = array<i32>} : memref<128x128xf32, #tpu.memory_space<vmem>>, vector<16xf32>,
        %mul3A_888 = arith.mulf %gather3A_86, %get3A_887 : vector<16xf32>
        %add3A_889 = arith.addf %add3A_881, %mul3A_888 : vector<16xf32>
        %max3A_890 = arith.maximumf %max3A_882, %mul3A_888 : vector<16xf32>
        %add3A_891 = arith.constant 13 : i32
        %add3A_892 = arith.addi %mul3A_36, %add3A_891 : i32
        %get3A_893 = arith.index_cast %add3A_892 : i32 to index
        %get3A_894 = arith.constant 80 : index
        %get3A_895 = tpu.vector_load %arg9[%get3A_893, %get3A_894] {strides = array<i32>} : memref<128x128xf32, #tpu.memory_space<vmem>>, vector<16xf32>,
        %mul3A_896 = arith.mulf %gather3A_90, %get3A_895 : vector<16xf32>
        %add3A_897 = arith.addf %add3A_889, %mul3A_896 : vector<16xf32>
        %max3A_898 = arith.maximumf %max3A_890, %mul3A_896 : vector<16xf32>
        %add3A_899 = arith.constant 14 : i32
        %add3A_900 = arith.addi %mul3A_36, %add3A_899 : i32
        %get3A_901 = arith.index_cast %add3A_900 : i32 to index
        %get3A_902 = arith.constant 80 : index
        %get3A_903 = tpu.vector_load %arg9[%get3A_901, %get3A_902] {strides = array<i32>} : memref<128x128xf32, #tpu.memory_space<vmem>>, vector<16xf32>,
        %mul3A_904 = arith.mulf %gather3A_94, %get3A_903 : vector<16xf32>
        %add3A_905 = arith.addf %add3A_897, %mul3A_904 : vector<16xf32>
        %max3A_906 = arith.maximumf %max3A_898, %mul3A_904 : vector<16xf32>
        %add3A_907 = arith.constant 15 : i32
        %add3A_908 = arith.addi %mul3A_36, %add3A_907 : i32
        %get3A_909 = arith.index_cast %add3A_908 : i32 to index
        %get3A_910 = arith.constant 80 : index
        %get3A_911 = tpu.vector_load %arg9[%get3A_909, %get3A_910] {strides = array<i32>} : memref<128x128xf32, #tpu.memory_space<vmem>>, vector<16xf32>,
        %mul3A_912 = arith.mulf %gather3A_98, %get3A_911 : vector<16xf32>
        %add3A_913 = arith.addf %add3A_905, %mul3A_912 : vector<16xf32>
        %max3A_914 = arith.maximumf %max3A_906, %mul3A_912 : vector<16xf32>
        %mul3A_915 = arith.constant 6.250000e-02 : f32
        %mul3A_916 = vector.broadcast %mul3A_915 : f32 to vector<16xf32>
        %mul3A_917 = arith.mulf %add3A_913, %mul3A_916 : vector<16xf32>
        %mul3A_918 = arith.constant 128 : i32
        %mul3A_919 = arith.muli %scan3A_34, %mul3A_918 : i32
        %add3A_920 = arith.constant 80 : i32
        %add3A_921 = arith.addi %mul3A_919, %add3A_920 : i32
        %swap3A_922 = arith.index_cast %add3A_921 : i32 to index
        %swap3A_923 = tpu.vector_load %arg11[%swap3A_922] {strides = array<i32>} : memref<1024xf32, #tpu.memory_space<vmem>>, vector<16xf32>,
        tpu.vector_store %arg11[%swap3A_922], %mul3A_917 {strides = array<i32>} : memref<1024xf32, #tpu.memory_space<vmem>>, vector<16xf32>,
        %mul3A_924 = arith.constant 128 : i32
        %mul3A_925 = arith.muli %scan3A_34, %mul3A_924 : i32
        %add3A_926 = arith.constant 80 : i32
        %add3A_927 = arith.addi %mul3A_925, %add3A_926 : i32
        %swap3A_928 = arith.index_cast %add3A_927 : i32 to index
        %swap3A_929 = tpu.vector_load %arg12[%swap3A_928] {strides = array<i32>} : memref<1024xf32, #tpu.memory_space<vmem>>, vector<16xf32>,
        tpu.vector_store %arg12[%swap3A_928], %max3A_914 {strides = array<i32>} : memref<1024xf32, #tpu.memory_space<vmem>>, vector<16xf32>,
        %get3A_930 = arith.index_cast %mul3A_36 : i32 to index
        %get3A_931 = arith.constant 96 : index
        %get3A_932 = tpu.vector_load %arg9[%get3A_930, %get3A_931] {strides = array<i32>} : memref<128x128xf32, #tpu.memory_space<vmem>>, vector<16xf32>,
        %mul3A_933 = arith.mulf %gather3A, %get3A_932 : vector<16xf32>
        %add3A_934 = arith.constant 1 : i32
        %add3A_935 = arith.addi %mul3A_36, %add3A_934 : i32
        %get3A_936 = arith.index_cast %add3A_935 : i32 to index
        %get3A_937 = arith.constant 96 : index
        %get3A_938 = tpu.vector_load %arg9[%get3A_936, %get3A_937] {strides = array<i32>} : memref<128x128xf32, #tpu.memory_space<vmem>>, vector<16xf32>,
        %mul3A_939 = arith.mulf %gather3A_42, %get3A_938 : vector<16xf32>
        %add3A_940 = arith.addf %mul3A_933, %mul3A_939 : vector<16xf32>
        %max3A_941 = arith.maximumf %mul3A_933, %mul3A_939 : vector<16xf32>
        %add3A_942 = arith.constant 2 : i32
        %add3A_943 = arith.addi %mul3A_36, %add3A_942 : i32
        %get3A_944 = arith.index_cast %add3A_943 : i32 to index
        %get3A_945 = arith.constant 96 : index
        %get3A_946 = tpu.vector_load %arg9[%get3A_944, %get3A_945] {strides = array<i32>} : memref<128x128xf32, #tpu.memory_space<vmem>>, vector<16xf32>,
        %mul3A_947 = arith.mulf %gather3A_46, %get3A_946 : vector<16xf32>
        %add3A_948 = arith.addf %add3A_940, %mul3A_947 : vector<16xf32>
        %max3A_949 = arith.maximumf %max3A_941, %mul3A_947 : vector<16xf32>
        %add3A_950 = arith.constant 3 : i32
        %add3A_951 = arith.addi %mul3A_36, %add3A_950 : i32
        %get3A_952 = arith.index_cast %add3A_951 : i32 to index
        %get3A_953 = arith.constant 96 : index
        %get3A_954 = tpu.vector_load %arg9[%get3A_952, %get3A_953] {strides = array<i32>} : memref<128x128xf32, #tpu.memory_space<vmem>>, vector<16xf32>,
        %mul3A_955 = arith.mulf %gather3A_50, %get3A_954 : vector<16xf32>
        %add3A_956 = arith.addf %add3A_948, %mul3A_955 : vector<16xf32>
        %max3A_957 = arith.maximumf %max3A_949, %mul3A_955 : vector<16xf32>
        %add3A_958 = arith.constant 4 : i32
        %add3A_959 = arith.addi %mul3A_36, %add3A_958 : i32
        %get3A_960 = arith.index_cast %add3A_959 : i32 to index
        %get3A_961 = arith.constant 96 : index
        %get3A_962 = tpu.vector_load %arg9[%get3A_960, %get3A_961] {strides = array<i32>} : memref<128x128xf32, #tpu.memory_space<vmem>>, vector<16xf32>,
        %mul3A_963 = arith.mulf %gather3A_54, %get3A_962 : vector<16xf32>
        %add3A_964 = arith.addf %add3A_956, %mul3A_963 : vector<16xf32>
        %max3A_965 = arith.maximumf %max3A_957, %mul3A_963 : vector<16xf32>
        %add3A_966 = arith.constant 5 : i32
        %add3A_967 = arith.addi %mul3A_36, %add3A_966 : i32
        %get3A_968 = arith.index_cast %add3A_967 : i32 to index
        %get3A_969 = arith.constant 96 : index
        %get3A_970 = tpu.vector_load %arg9[%get3A_968, %get3A_969] {strides = array<i32>} : memref<128x128xf32, #tpu.memory_space<vmem>>, vector<16xf32>,
        %mul3A_971 = arith.mulf %gather3A_58, %get3A_970 : vector<16xf32>
        %add3A_972 = arith.addf %add3A_964, %mul3A_971 : vector<16xf32>
        %max3A_973 = arith.maximumf %max3A_965, %mul3A_971 : vector<16xf32>
        %add3A_974 = arith.constant 6 : i32
        %add3A_975 = arith.addi %mul3A_36, %add3A_974 : i32
        %get3A_976 = arith.index_cast %add3A_975 : i32 to index
        %get3A_977 = arith.constant 96 : index
        %get3A_978 = tpu.vector_load %arg9[%get3A_976, %get3A_977] {strides = array<i32>} : memref<128x128xf32, #tpu.memory_space<vmem>>, vector<16xf32>,
        %mul3A_979 = arith.mulf %gather3A_62, %get3A_978 : vector<16xf32>
        %add3A_980 = arith.addf %add3A_972, %mul3A_979 : vector<16xf32>
        %max3A_981 = arith.maximumf %max3A_973, %mul3A_979 : vector<16xf32>
        %add3A_982 = arith.constant 7 : i32
        %add3A_983 = arith.addi %mul3A_36, %add3A_982 : i32
        %get3A_984 = arith.index_cast %add3A_983 : i32 to index
        %get3A_985 = arith.constant 96 : index
        %get3A_986 = tpu.vector_load %arg9[%get3A_984, %get3A_985] {strides = array<i32>} : memref<128x128xf32, #tpu.memory_space<vmem>>, vector<16xf32>,
        %mul3A_987 = arith.mulf %gather3A_66, %get3A_986 : vector<16xf32>
        %add3A_988 = arith.addf %add3A_980, %mul3A_987 : vector<16xf32>
        %max3A_989 = arith.maximumf %max3A_981, %mul3A_987 : vector<16xf32>
        %add3A_990 = arith.constant 8 : i32
        %add3A_991 = arith.addi %mul3A_36, %add3A_990 : i32
        %get3A_992 = arith.index_cast %add3A_991 : i32 to index
        %get3A_993 = arith.constant 96 : index
        %get3A_994 = tpu.vector_load %arg9[%get3A_992, %get3A_993] {strides = array<i32>} : memref<128x128xf32, #tpu.memory_space<vmem>>, vector<16xf32>,
        %mul3A_995 = arith.mulf %gather3A_70, %get3A_994 : vector<16xf32>
        %add3A_996 = arith.addf %add3A_988, %mul3A_995 : vector<16xf32>
        %max3A_997 = arith.maximumf %max3A_989, %mul3A_995 : vector<16xf32>
        %add3A_998 = arith.constant 9 : i32
        %add3A_999 = arith.addi %mul3A_36, %add3A_998 : i32
        %get3A_1000 = arith.index_cast %add3A_999 : i32 to index
        %get3A_1001 = arith.constant 96 : index
        %get3A_1002 = tpu.vector_load %arg9[%get3A_1000, %get3A_1001] {strides = array<i32>} : memref<128x128xf32, #tpu.memory_space<vmem>>, vector<16xf32>,
        %mul3A_1003 = arith.mulf %gather3A_74, %get3A_1002 : vector<16xf32>
        %add3A_1004 = arith.addf %add3A_996, %mul3A_1003 : vector<16xf32>
        %max3A_1005 = arith.maximumf %max3A_997, %mul3A_1003 : vector<16xf32>
        %add3A_1006 = arith.constant 10 : i32
        %add3A_1007 = arith.addi %mul3A_36, %add3A_1006 : i32
        %get3A_1008 = arith.index_cast %add3A_1007 : i32 to index
        %get3A_1009 = arith.constant 96 : index
        %get3A_1010 = tpu.vector_load %arg9[%get3A_1008, %get3A_1009] {strides = array<i32>} : memref<128x128xf32, #tpu.memory_space<vmem>>, vector<16xf32>,
        %mul3A_1011 = arith.mulf %gather3A_78, %get3A_1010 : vector<16xf32>
        %add3A_1012 = arith.addf %add3A_1004, %mul3A_1011 : vector<16xf32>
        %max3A_1013 = arith.maximumf %max3A_1005, %mul3A_1011 : vector<16xf32>
        %add3A_1014 = arith.constant 11 : i32
        %add3A_1015 = arith.addi %mul3A_36, %add3A_1014 : i32
        %get3A_1016 = arith.index_cast %add3A_1015 : i32 to index
        %get3A_1017 = arith.constant 96 : index
        %get3A_1018 = tpu.vector_load %arg9[%get3A_1016, %get3A_1017] {strides = array<i32>} : memref<128x128xf32, #tpu.memory_space<vmem>>, vector<16xf32>,
        %mul3A_1019 = arith.mulf %gather3A_82, %get3A_1018 : vector<16xf32>
        %add3A_1020 = arith.addf %add3A_1012, %mul3A_1019 : vector<16xf32>
        %max3A_1021 = arith.maximumf %max3A_1013, %mul3A_1019 : vector<16xf32>
        %add3A_1022 = arith.constant 12 : i32
        %add3A_1023 = arith.addi %mul3A_36, %add3A_1022 : i32
        %get3A_1024 = arith.index_cast %add3A_1023 : i32 to index
        %get3A_1025 = arith.constant 96 : index
        %get3A_1026 = tpu.vector_load %arg9[%get3A_1024, %get3A_1025] {strides = array<i32>} : memref<128x128xf32, #tpu.memory_space<vmem>>, vector<16xf32>,
        %mul3A_1027 = arith.mulf %gather3A_86, %get3A_1026 : vector<16xf32>
        %add3A_1028 = arith.addf %add3A_1020, %mul3A_1027 : vector<16xf32>
        %max3A_1029 = arith.maximumf %max3A_1021, %mul3A_1027 : vector<16xf32>
        %add3A_1030 = arith.constant 13 : i32
        %add3A_1031 = arith.addi %mul3A_36, %add3A_1030 : i32
        %get3A_1032 = arith.index_cast %add3A_1031 : i32 to index
        %get3A_1033 = arith.constant 96 : index
        %get3A_1034 = tpu.vector_load %arg9[%get3A_1032, %get3A_1033] {strides = array<i32>} : memref<128x128xf32, #tpu.memory_space<vmem>>, vector<16xf32>,
        %mul3A_1035 = arith.mulf %gather3A_90, %get3A_1034 : vector<16xf32>
        %add3A_1036 = arith.addf %add3A_1028, %mul3A_1035 : vector<16xf32>
        %max3A_1037 = arith.maximumf %max3A_1029, %mul3A_1035 : vector<16xf32>
        %add3A_1038 = arith.constant 14 : i32
        %add3A_1039 = arith.addi %mul3A_36, %add3A_1038 : i32
        %get3A_1040 = arith.index_cast %add3A_1039 : i32 to index
        %get3A_1041 = arith.constant 96 : index
        %get3A_1042 = tpu.vector_load %arg9[%get3A_1040, %get3A_1041] {strides = array<i32>} : memref<128x128xf32, #tpu.memory_space<vmem>>, vector<16xf32>,
        %mul3A_1043 = arith.mulf %gather3A_94, %get3A_1042 : vector<16xf32>
        %add3A_1044 = arith.addf %add3A_1036, %mul3A_1043 : vector<16xf32>
        %max3A_1045 = arith.maximumf %max3A_1037, %mul3A_1043 : vector<16xf32>
        %add3A_1046 = arith.constant 15 : i32
        %add3A_1047 = arith.addi %mul3A_36, %add3A_1046 : i32
        %get3A_1048 = arith.index_cast %add3A_1047 : i32 to index
        %get3A_1049 = arith.constant 96 : index
        %get3A_1050 = tpu.vector_load %arg9[%get3A_1048, %get3A_1049] {strides = array<i32>} : memref<128x128xf32, #tpu.memory_space<vmem>>, vector<16xf32>,
        %mul3A_1051 = arith.mulf %gather3A_98, %get3A_1050 : vector<16xf32>
        %add3A_1052 = arith.addf %add3A_1044, %mul3A_1051 : vector<16xf32>
        %max3A_1053 = arith.maximumf %max3A_1045, %mul3A_1051 : vector<16xf32>
        %mul3A_1054 = arith.constant 6.250000e-02 : f32
        %mul3A_1055 = vector.broadcast %mul3A_1054 : f32 to vector<16xf32>
        %mul3A_1056 = arith.mulf %add3A_1052, %mul3A_1055 : vector<16xf32>
        %mul3A_1057 = arith.constant 128 : i32
        %mul3A_1058 = arith.muli %scan3A_34, %mul3A_1057 : i32
        %add3A_1059 = arith.constant 96 : i32
        %add3A_1060 = arith.addi %mul3A_1058, %add3A_1059 : i32
        %swap3A_1061 = arith.index_cast %add3A_1060 : i32 to index
        %swap3A_1062 = tpu.vector_load %arg11[%swap3A_1061] {strides = array<i32>} : memref<1024xf32, #tpu.memory_space<vmem>>, vector<16xf32>,
        tpu.vector_store %arg11[%swap3A_1061], %mul3A_1056 {strides = array<i32>} : memref<1024xf32, #tpu.memory_space<vmem>>, vector<16xf32>,
        %mul3A_1063 = arith.constant 128 : i32
        %mul3A_1064 = arith.muli %scan3A_34, %mul3A_1063 : i32
        %add3A_1065 = arith.constant 96 : i32
        %add3A_1066 = arith.addi %mul3A_1064, %add3A_1065 : i32
        %swap3A_1067 = arith.index_cast %add3A_1066 : i32 to index
        %swap3A_1068 = tpu.vector_load %arg12[%swap3A_1067] {strides = array<i32>} : memref<1024xf32, #tpu.memory_space<vmem>>, vector<16xf32>,
        tpu.vector_store %arg12[%swap3A_1067], %max3A_1053 {strides = array<i32>} : memref<1024xf32, #tpu.memory_space<vmem>>, vector<16xf32>,
        %get3A_1069 = arith.index_cast %mul3A_36 : i32 to index
        %get3A_1070 = arith.constant 112 : index
        %get3A_1071 = tpu.vector_load %arg9[%get3A_1069, %get3A_1070] {strides = array<i32>} : memref<128x128xf32, #tpu.memory_space<vmem>>, vector<16xf32>,
        %mul3A_1072 = arith.mulf %gather3A, %get3A_1071 : vector<16xf32>
        %add3A_1073 = arith.constant 1 : i32
        %add3A_1074 = arith.addi %mul3A_36, %add3A_1073 : i32
        %get3A_1075 = arith.index_cast %add3A_1074 : i32 to index
        %get3A_1076 = arith.constant 112 : index
        %get3A_1077 = tpu.vector_load %arg9[%get3A_1075, %get3A_1076] {strides = array<i32>} : memref<128x128xf32, #tpu.memory_space<vmem>>, vector<16xf32>,
        %mul3A_1078 = arith.mulf %gather3A_42, %get3A_1077 : vector<16xf32>
        %add3A_1079 = arith.addf %mul3A_1072, %mul3A_1078 : vector<16xf32>
        %max3A_1080 = arith.maximumf %mul3A_1072, %mul3A_1078 : vector<16xf32>
        %add3A_1081 = arith.constant 2 : i32
        %add3A_1082 = arith.addi %mul3A_36, %add3A_1081 : i32
        %get3A_1083 = arith.index_cast %add3A_1082 : i32 to index
        %get3A_1084 = arith.constant 112 : index
        %get3A_1085 = tpu.vector_load %arg9[%get3A_1083, %get3A_1084] {strides = array<i32>} : memref<128x128xf32, #tpu.memory_space<vmem>>, vector<16xf32>,
        %mul3A_1086 = arith.mulf %gather3A_46, %get3A_1085 : vector<16xf32>
        %add3A_1087 = arith.addf %add3A_1079, %mul3A_1086 : vector<16xf32>
        %max3A_1088 = arith.maximumf %max3A_1080, %mul3A_1086 : vector<16xf32>
        %add3A_1089 = arith.constant 3 : i32
        %add3A_1090 = arith.addi %mul3A_36, %add3A_1089 : i32
        %get3A_1091 = arith.index_cast %add3A_1090 : i32 to index
        %get3A_1092 = arith.constant 112 : index
        %get3A_1093 = tpu.vector_load %arg9[%get3A_1091, %get3A_1092] {strides = array<i32>} : memref<128x128xf32, #tpu.memory_space<vmem>>, vector<16xf32>,
        %mul3A_1094 = arith.mulf %gather3A_50, %get3A_1093 : vector<16xf32>
        %add3A_1095 = arith.addf %add3A_1087, %mul3A_1094 : vector<16xf32>
        %max3A_1096 = arith.maximumf %max3A_1088, %mul3A_1094 : vector<16xf32>
        %add3A_1097 = arith.constant 4 : i32
        %add3A_1098 = arith.addi %mul3A_36, %add3A_1097 : i32
        %get3A_1099 = arith.index_cast %add3A_1098 : i32 to index
        %get3A_1100 = arith.constant 112 : index
        %get3A_1101 = tpu.vector_load %arg9[%get3A_1099, %get3A_1100] {strides = array<i32>} : memref<128x128xf32, #tpu.memory_space<vmem>>, vector<16xf32>,
        %mul3A_1102 = arith.mulf %gather3A_54, %get3A_1101 : vector<16xf32>
        %add3A_1103 = arith.addf %add3A_1095, %mul3A_1102 : vector<16xf32>
        %max3A_1104 = arith.maximumf %max3A_1096, %mul3A_1102 : vector<16xf32>
        %add3A_1105 = arith.constant 5 : i32
        %add3A_1106 = arith.addi %mul3A_36, %add3A_1105 : i32
        %get3A_1107 = arith.index_cast %add3A_1106 : i32 to index
        %get3A_1108 = arith.constant 112 : index
        %get3A_1109 = tpu.vector_load %arg9[%get3A_1107, %get3A_1108] {strides = array<i32>} : memref<128x128xf32, #tpu.memory_space<vmem>>, vector<16xf32>,
        %mul3A_1110 = arith.mulf %gather3A_58, %get3A_1109 : vector<16xf32>
        %add3A_1111 = arith.addf %add3A_1103, %mul3A_1110 : vector<16xf32>
        %max3A_1112 = arith.maximumf %max3A_1104, %mul3A_1110 : vector<16xf32>
        %add3A_1113 = arith.constant 6 : i32
        %add3A_1114 = arith.addi %mul3A_36, %add3A_1113 : i32
        %get3A_1115 = arith.index_cast %add3A_1114 : i32 to index
        %get3A_1116 = arith.constant 112 : index
        %get3A_1117 = tpu.vector_load %arg9[%get3A_1115, %get3A_1116] {strides = array<i32>} : memref<128x128xf32, #tpu.memory_space<vmem>>, vector<16xf32>,
        %mul3A_1118 = arith.mulf %gather3A_62, %get3A_1117 : vector<16xf32>
        %add3A_1119 = arith.addf %add3A_1111, %mul3A_1118 : vector<16xf32>
        %max3A_1120 = arith.maximumf %max3A_1112, %mul3A_1118 : vector<16xf32>
        %add3A_1121 = arith.constant 7 : i32
        %add3A_1122 = arith.addi %mul3A_36, %add3A_1121 : i32
        %get3A_1123 = arith.index_cast %add3A_1122 : i32 to index
        %get3A_1124 = arith.constant 112 : index
        %get3A_1125 = tpu.vector_load %arg9[%get3A_1123, %get3A_1124] {strides = array<i32>} : memref<128x128xf32, #tpu.memory_space<vmem>>, vector<16xf32>,
        %mul3A_1126 = arith.mulf %gather3A_66, %get3A_1125 : vector<16xf32>
        %add3A_1127 = arith.addf %add3A_1119, %mul3A_1126 : vector<16xf32>
        %max3A_1128 = arith.maximumf %max3A_1120, %mul3A_1126 : vector<16xf32>
        %add3A_1129 = arith.constant 8 : i32
        %add3A_1130 = arith.addi %mul3A_36, %add3A_1129 : i32
        %get3A_1131 = arith.index_cast %add3A_1130 : i32 to index
        %get3A_1132 = arith.constant 112 : index
        %get3A_1133 = tpu.vector_load %arg9[%get3A_1131, %get3A_1132] {strides = array<i32>} : memref<128x128xf32, #tpu.memory_space<vmem>>, vector<16xf32>,
        %mul3A_1134 = arith.mulf %gather3A_70, %get3A_1133 : vector<16xf32>
        %add3A_1135 = arith.addf %add3A_1127, %mul3A_1134 : vector<16xf32>
        %max3A_1136 = arith.maximumf %max3A_1128, %mul3A_1134 : vector<16xf32>
        %add3A_1137 = arith.constant 9 : i32
        %add3A_1138 = arith.addi %mul3A_36, %add3A_1137 : i32
        %get3A_1139 = arith.index_cast %add3A_1138 : i32 to index
        %get3A_1140 = arith.constant 112 : index
        %get3A_1141 = tpu.vector_load %arg9[%get3A_1139, %get3A_1140] {strides = array<i32>} : memref<128x128xf32, #tpu.memory_space<vmem>>, vector<16xf32>,
        %mul3A_1142 = arith.mulf %gather3A_74, %get3A_1141 : vector<16xf32>
        %add3A_1143 = arith.addf %add3A_1135, %mul3A_1142 : vector<16xf32>
        %max3A_1144 = arith.maximumf %max3A_1136, %mul3A_1142 : vector<16xf32>
        %add3A_1145 = arith.constant 10 : i32
        %add3A_1146 = arith.addi %mul3A_36, %add3A_1145 : i32
        %get3A_1147 = arith.index_cast %add3A_1146 : i32 to index
        %get3A_1148 = arith.constant 112 : index
        %get3A_1149 = tpu.vector_load %arg9[%get3A_1147, %get3A_1148] {strides = array<i32>} : memref<128x128xf32, #tpu.memory_space<vmem>>, vector<16xf32>,
        %mul3A_1150 = arith.mulf %gather3A_78, %get3A_1149 : vector<16xf32>
        %add3A_1151 = arith.addf %add3A_1143, %mul3A_1150 : vector<16xf32>
        %max3A_1152 = arith.maximumf %max3A_1144, %mul3A_1150 : vector<16xf32>
        %add3A_1153 = arith.constant 11 : i32
        %add3A_1154 = arith.addi %mul3A_36, %add3A_1153 : i32
        %get3A_1155 = arith.index_cast %add3A_1154 : i32 to index
        %get3A_1156 = arith.constant 112 : index
        %get3A_1157 = tpu.vector_load %arg9[%get3A_1155, %get3A_1156] {strides = array<i32>} : memref<128x128xf32, #tpu.memory_space<vmem>>, vector<16xf32>,
        %mul3A_1158 = arith.mulf %gather3A_82, %get3A_1157 : vector<16xf32>
        %add3A_1159 = arith.addf %add3A_1151, %mul3A_1158 : vector<16xf32>
        %max3A_1160 = arith.maximumf %max3A_1152, %mul3A_1158 : vector<16xf32>
        %add3A_1161 = arith.constant 12 : i32
        %add3A_1162 = arith.addi %mul3A_36, %add3A_1161 : i32
        %get3A_1163 = arith.index_cast %add3A_1162 : i32 to index
        %get3A_1164 = arith.constant 112 : index
        %get3A_1165 = tpu.vector_load %arg9[%get3A_1163, %get3A_1164] {strides = array<i32>} : memref<128x128xf32, #tpu.memory_space<vmem>>, vector<16xf32>,
        %mul3A_1166 = arith.mulf %gather3A_86, %get3A_1165 : vector<16xf32>
        %add3A_1167 = arith.addf %add3A_1159, %mul3A_1166 : vector<16xf32>
        %max3A_1168 = arith.maximumf %max3A_1160, %mul3A_1166 : vector<16xf32>
        %add3A_1169 = arith.constant 13 : i32
        %add3A_1170 = arith.addi %mul3A_36, %add3A_1169 : i32
        %get3A_1171 = arith.index_cast %add3A_1170 : i32 to index
        %get3A_1172 = arith.constant 112 : index
        %get3A_1173 = tpu.vector_load %arg9[%get3A_1171, %get3A_1172] {strides = array<i32>} : memref<128x128xf32, #tpu.memory_space<vmem>>, vector<16xf32>,
        %mul3A_1174 = arith.mulf %gather3A_90, %get3A_1173 : vector<16xf32>
        %add3A_1175 = arith.addf %add3A_1167, %mul3A_1174 : vector<16xf32>
        %max3A_1176 = arith.maximumf %max3A_1168, %mul3A_1174 : vector<16xf32>
        %add3A_1177 = arith.constant 14 : i32
        %add3A_1178 = arith.addi %mul3A_36, %add3A_1177 : i32
        %get3A_1179 = arith.index_cast %add3A_1178 : i32 to index
        %get3A_1180 = arith.constant 112 : index
        %get3A_1181 = tpu.vector_load %arg9[%get3A_1179, %get3A_1180] {strides = array<i32>} : memref<128x128xf32, #tpu.memory_space<vmem>>, vector<16xf32>,
        %mul3A_1182 = arith.mulf %gather3A_94, %get3A_1181 : vector<16xf32>
        %add3A_1183 = arith.addf %add3A_1175, %mul3A_1182 : vector<16xf32>
        %max3A_1184 = arith.maximumf %max3A_1176, %mul3A_1182 : vector<16xf32>
        %add3A_1185 = arith.constant 15 : i32
        %add3A_1186 = arith.addi %mul3A_36, %add3A_1185 : i32
        %get3A_1187 = arith.index_cast %add3A_1186 : i32 to index
        %get3A_1188 = arith.constant 112 : index
        %get3A_1189 = tpu.vector_load %arg9[%get3A_1187, %get3A_1188] {strides = array<i32>} : memref<128x128xf32, #tpu.memory_space<vmem>>, vector<16xf32>,
        %mul3A_1190 = arith.mulf %gather3A_98, %get3A_1189 : vector<16xf32>
        %add3A_1191 = arith.addf %add3A_1183, %mul3A_1190 : vector<16xf32>
        %max3A_1192 = arith.maximumf %max3A_1184, %mul3A_1190 : vector<16xf32>
        %mul3A_1193 = arith.constant 6.250000e-02 : f32
        %mul3A_1194 = vector.broadcast %mul3A_1193 : f32 to vector<16xf32>
        %mul3A_1195 = arith.mulf %add3A_1191, %mul3A_1194 : vector<16xf32>
        %mul3A_1196 = arith.constant 128 : i32
        %mul3A_1197 = arith.muli %scan3A_34, %mul3A_1196 : i32
        %add3A_1198 = arith.constant 112 : i32
        %add3A_1199 = arith.addi %mul3A_1197, %add3A_1198 : i32
        %swap3A_1200 = arith.index_cast %add3A_1199 : i32 to index
        %swap3A_1201 = tpu.vector_load %arg11[%swap3A_1200] {strides = array<i32>} : memref<1024xf32, #tpu.memory_space<vmem>>, vector<16xf32>,
        tpu.vector_store %arg11[%swap3A_1200], %mul3A_1195 {strides = array<i32>} : memref<1024xf32, #tpu.memory_space<vmem>>, vector<16xf32>,
        %mul3A_1202 = arith.constant 128 : i32
        %mul3A_1203 = arith.muli %scan3A_34, %mul3A_1202 : i32
        %add3A_1204 = arith.constant 112 : i32
        %add3A_1205 = arith.addi %mul3A_1203, %add3A_1204 : i32
        %swap3A_1206 = arith.index_cast %add3A_1205 : i32 to index
        %swap3A_1207 = tpu.vector_load %arg12[%swap3A_1206] {strides = array<i32>} : memref<1024xf32, #tpu.memory_space<vmem>>, vector<16xf32>,
        tpu.vector_store %arg12[%swap3A_1206], %max3A_1192 {strides = array<i32>} : memref<1024xf32, #tpu.memory_space<vmem>>, vector<16xf32>,
      }
      %scan3A_29 = arith.constant 8 : i32
      %mul3A_30 = arith.constant 128 : i32
      %mul3A_31 = arith.muli %add3A_11, %mul3A_30 : i32
      "tpu.region"() ({
        %run_scoped3A = tpu.sem_alloc : memref<!tpu.dma_semaphore, #tpu.memory_space<semaphore_mem>>
        %dma_start3A_34 = tpu.memref_slice %arg5[%mul3A_31] : memref<1310720xf32, #tpu.memory_space<hbm>> -> memref<1024xf32, #tpu.memory_space<hbm>>
        %dma_start3A_35 = tpu.memref_slice %arg5[%mul3A_31] : memref<1310720xf32, #tpu.memory_space<hbm>> -> memref<1024xf32, #tpu.memory_space<hbm>>
        tpu.enqueue_dma source(%arg11 : memref<1024xf32, #tpu.memory_space<vmem>>) target(%dma_start3A_35 : memref<1024xf32, #tpu.memory_space<hbm>>) target_semaphore(%run_scoped3A : memref<!tpu.dma_semaphore, #tpu.memory_space<semaphore_mem>>)
        %dma_wait3A_36 = tpu.memref_slice %arg5[%mul3A_31] : memref<1310720xf32, #tpu.memory_space<hbm>> -> memref<1024xf32, #tpu.memory_space<hbm>>
        %dma_wait3A_37 = tpu.memref_slice %arg5[%mul3A_31] : memref<1310720xf32, #tpu.memory_space<hbm>> -> memref<1024xf32, #tpu.memory_space<hbm>>
        tpu.wait_dma2 semaphore(%run_scoped3A : memref<!tpu.dma_semaphore, #tpu.memory_space<semaphore_mem>>) src(%arg11 : memref<1024xf32, #tpu.memory_space<vmem>>) dst(%dma_wait3A_37 : memref<1024xf32, #tpu.memory_space<hbm>>)
        tpu.yield
      }) : () -> ()
      %mul3A_32 = arith.constant 128 : i32
      %mul3A_33 = arith.muli %add3A_11, %mul3A_32 : i32
      "tpu.region"() ({
        %run_scoped3A = tpu.sem_alloc : memref<!tpu.dma_semaphore, #tpu.memory_space<semaphore_mem>>
        %dma_start3A_34 = tpu.memref_slice %arg6[%mul3A_33] : memref<1310720xf32, #tpu.memory_space<hbm>> -> memref<1024xf32, #tpu.memory_space<hbm>>
        %dma_start3A_35 = tpu.memref_slice %arg6[%mul3A_33] : memref<1310720xf32, #tpu.memory_space<hbm>> -> memref<1024xf32, #tpu.memory_space<hbm>>
        tpu.enqueue_dma source(%arg12 : memref<1024xf32, #tpu.memory_space<vmem>>) target(%dma_start3A_35 : memref<1024xf32, #tpu.memory_space<hbm>>) target_semaphore(%run_scoped3A : memref<!tpu.dma_semaphore, #tpu.memory_space<semaphore_mem>>)
        %dma_wait3A_36 = tpu.memref_slice %arg6[%mul3A_33] : memref<1310720xf32, #tpu.memory_space<hbm>> -> memref<1024xf32, #tpu.memory_space<hbm>>
        %dma_wait3A_37 = tpu.memref_slice %arg6[%mul3A_33] : memref<1310720xf32, #tpu.memory_space<hbm>> -> memref<1024xf32, #tpu.memory_space<hbm>>
        tpu.wait_dma2 semaphore(%run_scoped3A : memref<!tpu.dma_semaphore, #tpu.memory_space<semaphore_mem>>) src(%arg12 : memref<1024xf32, #tpu.memory_space<vmem>>) dst(%dma_wait3A_37 : memref<1024xf32, #tpu.memory_space<hbm>>)
        tpu.yield
      }) : () -> ()
    }
    %scan3A_7 = arith.constant 40 : i32
    return
  }
}

module attributes {stable_mosaic.version = 14 : i64} {
  func.func @_coords_body(%arg0: memref<10240x128xbf16, #tpu.memory_space<vmem>>, %arg1: memref<128x8xbf16, #tpu.memory_space<vmem>>, %arg2: memref<10240x8xf32, #tpu.memory_space<vmem>>, %arg3: memref<10240x1xf32, #tpu.memory_space<vmem>>) attributes {dimension_semantics = [], scalar_prefetch = 0 : i64, scratch_operands = 0 : i64, tpu.core_type = #tpu.core_type<tc>} {
    %get3A = arith.constant 0 : index
    %get3A_0 = arith.constant 0 : index
    %get3A_1 = vector.load %arg0[%get3A, %get3A_0] : memref<10240x128xbf16, #tpu.memory_space<vmem>>, vector<10240x128xbf16>
    %get3A_2 = arith.constant 0 : index
    %get3A_3 = arith.constant 0 : index
    %get3A_4 = vector.load %arg1[%get3A_2, %get3A_3] : memref<128x8xbf16, #tpu.memory_space<vmem>>, vector<128x8xbf16>
    %dot_general3A = arith.constant dense<0.000000e+00> : vector<10240x8xf32>
    %dot_general3A_5 = tpu.matmul %get3A_1, %get3A_4, %dot_general3A {dimension_numbers = #tpu.dot_dimension_numbers<[1], [0], [0], [1], [0, 0, 1, 1], [], []>, transpose_lhs_hint = false} : vector<10240x128xbf16>, vector<128x8xbf16>, vector<10240x8xf32> -> vector<10240x8xf32>
    %swap3A = arith.constant 0 : index
    %swap3A_6 = arith.constant 0 : index
    %swap3A_7 = vector.load %arg2[%swap3A, %swap3A_6] : memref<10240x8xf32, #tpu.memory_space<vmem>>, vector<10240x8xf32>
    tpu.vector_store %arg2[%swap3A, %swap3A_6], %dot_general3A_5 {strides = array<i32>} : memref<10240x8xf32, #tpu.memory_space<vmem>>, vector<10240x8xf32>,
    %mul3A = arith.mulf %dot_general3A_5, %dot_general3A_5 : vector<10240x8xf32>
    %reduce_sum3A = arith.constant dense<0.000000e+00> : vector<10240xf32>
    %reduce_sum3A_8 = vector.multi_reduction <add>, %mul3A, %reduce_sum3A [1] : vector<10240x8xf32> to vector<10240xf32>
    %broadcast_in_dim3A = vector.shape_cast %reduce_sum3A_8 : vector<10240xf32> to vector<10240x1xf32>
    %swap3A_9 = arith.constant 0 : index
    %swap3A_10 = arith.constant 0 : index
    %swap3A_11 = vector.load %arg3[%swap3A_9, %swap3A_10] : memref<10240x1xf32, #tpu.memory_space<vmem>>, vector<10240x1xf32>
    tpu.vector_store %arg3[%swap3A_9, %swap3A_10], %broadcast_in_dim3A {strides = array<i32>} : memref<10240x1xf32, #tpu.memory_space<vmem>>, vector<10240x1xf32>,
    return
  }
}

module attributes {stable_mosaic.version = 14 : i64} {
  func.func @_knn_body(%arg0: i32, %arg1: memref<512x128xbf16, #tpu.memory_space<vmem>>, %arg2: memref<128x128xbf16, #tpu.memory_space<vmem>>, %arg3: memref<1x128xf32, #tpu.memory_space<vmem>>, %arg4: memref<10240x8xbf16, #tpu.memory_space<vmem>>, %arg5: memref<8x10240xbf16, #tpu.memory_space<vmem>>, %arg6: memref<10240x1xf32, #tpu.memory_space<vmem>>, %arg7: memref<1x10240xf32, #tpu.memory_space<vmem>>, %arg8: memref<512x128xf32, #tpu.memory_space<vmem>>, %arg9: memref<512x16xi32, #tpu.memory_space<vmem>>, %arg10: memref<512x10240xf32, #tpu.memory_space<vmem>>) attributes {dimension_semantics = [#tpu.dimension_semantics<arbitrary>], iteration_bounds = array<i64: 20>, scalar_prefetch = 0 : i64, scratch_operands = 1 : i64, tpu.core_type = #tpu.core_type<tc>, window_params = [{transform_indices = @transform_0, window_bounds = array<i64: 512, 128>}, {pipeline_mode = #tpu.pipeline_mode<synchronous>, transform_indices = @transform_1, window_bounds = array<i64: 128, 128>}, {pipeline_mode = #tpu.pipeline_mode<synchronous>, transform_indices = @transform_2, window_bounds = array<i64: 1, 128>}, {pipeline_mode = #tpu.pipeline_mode<synchronous>, transform_indices = @transform_3, window_bounds = array<i64: 10240, 8>}, {pipeline_mode = #tpu.pipeline_mode<synchronous>, transform_indices = @transform_4, window_bounds = array<i64: 8, 10240>}, {pipeline_mode = #tpu.pipeline_mode<synchronous>, transform_indices = @transform_5, window_bounds = array<i64: 10240, 1>}, {pipeline_mode = #tpu.pipeline_mode<synchronous>, transform_indices = @transform_6, window_bounds = array<i64: 1, 10240>}, {transform_indices = @transform_7, window_bounds = array<i64: 512, 128>}, {transform_indices = @transform_8, window_bounds = array<i64: 512, 16>}]} {
    %get3A = arith.constant 0 : index
    %get3A_0 = arith.constant 0 : index
    %get3A_1 = vector.load %arg1[%get3A, %get3A_0] : memref<512x128xbf16, #tpu.memory_space<vmem>>, vector<512x128xbf16>
    %get3A_2 = arith.constant 0 : index
    %get3A_3 = arith.constant 0 : index
    %get3A_4 = vector.load %arg2[%get3A_2, %get3A_3] : memref<128x128xbf16, #tpu.memory_space<vmem>>, vector<128x128xbf16>
    %dot_general3A = arith.constant dense<0.000000e+00> : vector<512x128xf32>
    %dot_general3A_5 = tpu.matmul %get3A_1, %get3A_4, %dot_general3A {dimension_numbers = #tpu.dot_dimension_numbers<[1], [0], [0], [1], [0, 0, 1, 1], [], []>, transpose_lhs_hint = false} : vector<512x128xbf16>, vector<128x128xbf16>, vector<512x128xf32> -> vector<512x128xf32>
    %get3A_6 = arith.constant 0 : index
    %get3A_7 = arith.constant 0 : index
    %get3A_8 = vector.load %arg3[%get3A_6, %get3A_7] : memref<1x128xf32, #tpu.memory_space<vmem>>, vector<1x128xf32>
    %add3A = vector.broadcast %get3A_8 : vector<1x128xf32> to vector<512x128xf32>
    %add3A_9 = arith.addf %dot_general3A_5, %add3A : vector<512x128xf32>
    %swap3A = arith.constant 0 : index
    %swap3A_10 = arith.constant 0 : index
    %swap3A_11 = vector.load %arg8[%swap3A, %swap3A_10] : memref<512x128xf32, #tpu.memory_space<vmem>>, vector<512x128xf32>
    tpu.vector_store %arg8[%swap3A, %swap3A_10], %add3A_9 {strides = array<i32>} : memref<512x128xf32, #tpu.memory_space<vmem>>, vector<512x128xf32>,
    %mul3A = arith.constant 512 : i32
    %mul3A_12 = arith.muli %arg0, %mul3A : i32
    %get3A_13 = arith.index_cast %mul3A_12 : i32 to index
    %get3A_14 = arith.constant 0 : index
    %get3A_15 = vector.load %arg4[%get3A_13, %get3A_14] : memref<10240x8xbf16, #tpu.memory_space<vmem>>, vector<512x8xbf16>
    %get3A_16 = arith.constant 0 : index
    %get3A_17 = arith.constant 0 : index
    %get3A_18 = vector.load %arg5[%get3A_16, %get3A_17] : memref<8x10240xbf16, #tpu.memory_space<vmem>>, vector<8x10240xbf16>
    %dot_general3A_19 = arith.constant dense<0.000000e+00> : vector<512x10240xf32>
    %dot_general3A_20 = tpu.matmul %get3A_15, %get3A_18, %dot_general3A_19 {dimension_numbers = #tpu.dot_dimension_numbers<[1], [0], [0], [1], [0, 0, 1, 1], [], []>, transpose_lhs_hint = false} : vector<512x8xbf16>, vector<8x10240xbf16>, vector<512x10240xf32> -> vector<512x10240xf32>
    %mul3A_21 = arith.constant 512 : i32
    %mul3A_22 = arith.muli %arg0, %mul3A_21 : i32
    %get3A_23 = arith.index_cast %mul3A_22 : i32 to index
    %get3A_24 = arith.constant 0 : index
    %get3A_25 = vector.load %arg6[%get3A_23, %get3A_24] : memref<10240x1xf32, #tpu.memory_space<vmem>>, vector<512x1xf32>
    %get3A_26 = arith.constant 0 : index
    %get3A_27 = arith.constant 0 : index
    %get3A_28 = vector.load %arg7[%get3A_26, %get3A_27] : memref<1x10240xf32, #tpu.memory_space<vmem>>, vector<1x10240xf32>
    %add3A_29 = vector.broadcast %get3A_25 : vector<512x1xf32> to vector<512x10240xf32>
    %add3A_30 = vector.broadcast %get3A_28 : vector<1x10240xf32> to vector<512x10240xf32>
    %add3A_31 = arith.addf %add3A_29, %add3A_30 : vector<512x10240xf32>
    %mul3A_32 = arith.constant 2.000000e+00 : f32
    %mul3A_33 = vector.broadcast %mul3A_32 : f32 to vector<512x10240xf32>
    %mul3A_34 = arith.mulf %mul3A_33, %dot_general3A_20 : vector<512x10240xf32>
    %sub3A = arith.subf %add3A_31, %mul3A_34 : vector<512x10240xf32>
    %iota3A = tpu.iota {dimensions = array<i32: 1>} : vector<512x10240xi32>
    %ge3A = arith.constant 10000 : i32
    %ge3A_35 = vector.broadcast %ge3A : i32 to vector<512x10240xi32>
    %ge3A_36 = arith.cmpi sge, %iota3A, %ge3A_35 : vector<512x10240xi32>
    %jit3A = arith.constant 1.000000e+30 : f32
    %broadcast_in_dim3A = vector.broadcast %jit3A : f32 to vector<512x10240xf32>
    %select_n3A = arith.select %ge3A_36, %broadcast_in_dim3A, %sub3A : vector<512x10240xi1>, vector<512x10240xf32>
    %swap3A_37 = arith.constant 0 : index
    %swap3A_38 = arith.constant 0 : index
    %swap3A_39 = vector.load %arg10[%swap3A_37, %swap3A_38] : memref<512x10240xf32, #tpu.memory_space<vmem>>, vector<512x10240xf32>
    tpu.vector_store %arg10[%swap3A_37, %swap3A_38], %select_n3A {strides = array<i32>} : memref<512x10240xf32, #tpu.memory_space<vmem>>, vector<512x10240xf32>,
    %iota3A_40 = tpu.iota {dimensions = array<i32: 1>} : vector<512x16xi32>
    %broadcast_in_dim3A_41 = arith.constant 0 : i32
    %broadcast_in_dim3A_42 = vector.broadcast %broadcast_in_dim3A_41 : i32 to vector<512x16xi32>
    %scan3A = arith.constant 0 : i32
    %scan3A_43 = arith.constant 16 : i32
    %scan3A_44 = arith.addi %scan3A, %scan3A_43 : i32
    %scan3A_45 = arith.constant 1 : i32
    %scan3A_46 = scf.for %scan3A_51 = %scan3A to %scan3A_44 step %scan3A_45 iter_args(%scan3A_52 = %broadcast_in_dim3A_42) -> (vector<512x16xi32>)  : i32 {
      %get3A_53 = arith.constant 0 : index
      %get3A_54 = arith.constant 0 : index
      %get3A_55 = vector.load %arg10[%get3A_53, %get3A_54] : memref<512x10240xf32, #tpu.memory_space<vmem>>, vector<512x10240xf32>
      %reduce_min3A = arith.constant dense<0x7F800000> : vector<512xf32>
      %reduce_min3A_56 = vector.multi_reduction <minimumf>, %get3A_55, %reduce_min3A [1] : vector<512x10240xf32> to vector<512xf32>
      %broadcast_in_dim3A_57 = vector.shape_cast %reduce_min3A_56 : vector<512xf32> to vector<512x1xf32>
      %le3A = vector.broadcast %broadcast_in_dim3A_57 : vector<512x1xf32> to vector<512x10240xf32>
      %le3A_58 = arith.cmpf ole, %get3A_55, %le3A : vector<512x10240xf32>
      %jit3A_59 = arith.constant 10240 : i32
      %broadcast_in_dim3A_60 = vector.broadcast %jit3A_59 : i32 to vector<512x10240xi32>
      %select_n3A_61 = arith.select %le3A_58, %iota3A, %broadcast_in_dim3A_60 : vector<512x10240xi1>, vector<512x10240xi32>
      %reduce_min3A_62 = arith.constant dense<2147483647> : vector<512xi32>
      %reduce_min3A_63 = vector.multi_reduction <minsi>, %select_n3A_61, %reduce_min3A_62 [1] : vector<512x10240xi32> to vector<512xi32>
      %broadcast_in_dim3A_64 = vector.shape_cast %reduce_min3A_63 : vector<512xi32> to vector<512x1xi32>
      %eq3A = vector.broadcast %broadcast_in_dim3A_64 : vector<512x1xi32> to vector<512x10240xi32>
      %eq3A_65 = arith.cmpi eq, %iota3A, %eq3A : vector<512x10240xi32>
      %jit3A_66 = arith.constant 1.000000e+30 : f32
      %broadcast_in_dim3A_67 = vector.broadcast %jit3A_66 : f32 to vector<512x10240xf32>
      %select_n3A_68 = arith.select %eq3A_65, %broadcast_in_dim3A_67, %get3A_55 : vector<512x10240xi1>, vector<512x10240xf32>
      %swap3A_69 = arith.constant 0 : index
      %swap3A_70 = arith.constant 0 : index
      %swap3A_71 = vector.load %arg10[%swap3A_69, %swap3A_70] : memref<512x10240xf32, #tpu.memory_space<vmem>>, vector<512x10240xf32>
      tpu.vector_store %arg10[%swap3A_69, %swap3A_70], %select_n3A_68 {strides = array<i32>} : memref<512x10240xf32, #tpu.memory_space<vmem>>, vector<512x10240xf32>,
      %eq3A_72 = vector.broadcast %scan3A_51 : i32 to vector<512x16xi32>
      %eq3A_73 = arith.cmpi eq, %iota3A_40, %eq3A_72 : vector<512x16xi32>
      %broadcast_in_dim3A_74 = vector.shape_cast %broadcast_in_dim3A_64 : vector<512x1xi32> to vector<512x1xi32>
      %broadcast_in_dim3A_75 = vector.broadcast %broadcast_in_dim3A_74 : vector<512x1xi32> to vector<512x16xi32>
      %select_n3A_76 = arith.select %eq3A_73, %broadcast_in_dim3A_75, %scan3A_52 : vector<512x16xi1>, vector<512x16xi32>
      scf.yield %select_n3A_76 : vector<512x16xi32>
    }
    %scan3A_47 = arith.constant 16 : i32
    %swap3A_48 = arith.constant 0 : index
    %swap3A_49 = arith.constant 0 : index
    %swap3A_50 = vector.load %arg9[%swap3A_48, %swap3A_49] : memref<512x16xi32, #tpu.memory_space<vmem>>, vector<512x16xi32>
    tpu.vector_store %arg9[%swap3A_48, %swap3A_49], %scan3A_46 {strides = array<i32>} : memref<512x16xi32, #tpu.memory_space<vmem>>, vector<512x16xi32>,
    return
  }
  func.func @transform_0(%arg0: i32) -> (i32, i32) {
    %c0_i32 = arith.constant 0 : i32
    %c0_i32_0 = arith.constant 0 : i32
    return %arg0, %c0_i32 : i32, i32
  }
  func.func @transform_1(%arg0: i32) -> (i32, i32) {
    %c0_i32 = arith.constant 0 : i32
    %c0_i32_0 = arith.constant 0 : i32
    %c0_i32_1 = arith.constant 0 : i32
    return %c0_i32, %c0_i32_0 : i32, i32
  }
  func.func @transform_2(%arg0: i32) -> (i32, i32) {
    %c0_i32 = arith.constant 0 : i32
    %c0_i32_0 = arith.constant 0 : i32
    %c0_i32_1 = arith.constant 0 : i32
    return %c0_i32, %c0_i32_0 : i32, i32
  }
  func.func @transform_3(%arg0: i32) -> (i32, i32) {
    %c0_i32 = arith.constant 0 : i32
    %c0_i32_0 = arith.constant 0 : i32
    %c0_i32_1 = arith.constant 0 : i32
    return %c0_i32, %c0_i32_0 : i32, i32
  }
  func.func @transform_4(%arg0: i32) -> (i32, i32) {
    %c0_i32 = arith.constant 0 : i32
    %c0_i32_0 = arith.constant 0 : i32
    %c0_i32_1 = arith.constant 0 : i32
    return %c0_i32, %c0_i32_0 : i32, i32
  }
  func.func @transform_5(%arg0: i32) -> (i32, i32) {
    %c0_i32 = arith.constant 0 : i32
    %c0_i32_0 = arith.constant 0 : i32
    %c0_i32_1 = arith.constant 0 : i32
    return %c0_i32, %c0_i32_0 : i32, i32
  }
  func.func @transform_6(%arg0: i32) -> (i32, i32) {
    %c0_i32 = arith.constant 0 : i32
    %c0_i32_0 = arith.constant 0 : i32
    %c0_i32_1 = arith.constant 0 : i32
    return %c0_i32, %c0_i32_0 : i32, i32
  }
  func.func @transform_7(%arg0: i32) -> (i32, i32) {
    %c0_i32 = arith.constant 0 : i32
    %c0_i32_0 = arith.constant 0 : i32
    return %arg0, %c0_i32 : i32, i32
  }
  func.func @transform_8(%arg0: i32) -> (i32, i32) {
    %c0_i32 = arith.constant 0 : i32
    %c0_i32_0 = arith.constant 0 : i32
    return %arg0, %c0_i32 : i32, i32
  }
}

module attributes {stable_mosaic.version = 14 : i64} {
  func.func @_tail_body(%arg0: memref<10000x128xf32, #tpu.memory_space<vmem>>, %arg1: memref<10000x128xf32, #tpu.memory_space<vmem>>, %arg2: memref<10000x128xf32, #tpu.memory_space<vmem>>, %arg3: memref<384x128xbf16, #tpu.memory_space<vmem>>, %arg4: memref<1x128xf32, #tpu.memory_space<vmem>>, %arg5: memref<128x128xbf16, #tpu.memory_space<vmem>>, %arg6: memref<1x128xf32, #tpu.memory_space<vmem>>, %arg7: memref<128x128xbf16, #tpu.memory_space<vmem>>, %arg8: memref<1x128xf32, #tpu.memory_space<vmem>>, %arg9: memref<1x128xf32, #tpu.memory_space<vmem>>, %arg10: memref<1x128xf32, #tpu.memory_space<vmem>>, %arg11: memref<1x128xf32, #tpu.memory_space<vmem>>, %arg12: memref<1x128xf32, #tpu.memory_space<vmem>>, %arg13: memref<10000x128xf32, #tpu.memory_space<vmem>>) attributes {dimension_semantics = [], scalar_prefetch = 0 : i64, scratch_operands = 0 : i64, tpu.core_type = #tpu.core_type<tc>} {
    %get3A = arith.constant 0 : index
    %get3A_0 = arith.constant 0 : index
    %get3A_1 = vector.load %arg2[%get3A, %get3A_0] : memref<10000x128xf32, #tpu.memory_space<vmem>>, vector<10000x128xf32>
    %get3A_2 = arith.constant 0 : index
    %get3A_3 = arith.constant 0 : index
    %get3A_4 = vector.load %arg0[%get3A_2, %get3A_3] : memref<10000x128xf32, #tpu.memory_space<vmem>>, vector<10000x128xf32>
    %convert_element_type3A = arith.truncf %get3A_4 : vector<10000x128xf32> to vector<10000x128xbf16>
    %get3A_5 = arith.constant 0 : index
    %get3A_6 = arith.constant 0 : index
    %get3A_7 = vector.load %arg3[%get3A_5, %get3A_6] : memref<384x128xbf16, #tpu.memory_space<vmem>>, vector<128x128xbf16>
    %dot_general3A = arith.constant dense<0.000000e+00> : vector<10000x128xf32>
    %dot_general3A_8 = tpu.matmul %convert_element_type3A, %get3A_7, %dot_general3A {dimension_numbers = #tpu.dot_dimension_numbers<[1], [0], [0], [1], [0, 0, 1, 1], [], []>, transpose_lhs_hint = false} : vector<10000x128xbf16>, vector<128x128xbf16>, vector<10000x128xf32> -> vector<10000x128xf32>
    %get3A_9 = arith.constant 0 : index
    %get3A_10 = arith.constant 0 : index
    %get3A_11 = vector.load %arg1[%get3A_9, %get3A_10] : memref<10000x128xf32, #tpu.memory_space<vmem>>, vector<10000x128xf32>
    %convert_element_type3A_12 = arith.truncf %get3A_11 : vector<10000x128xf32> to vector<10000x128xbf16>
    %get3A_13 = arith.constant 128 : index
    %get3A_14 = arith.constant 0 : index
    %get3A_15 = vector.load %arg3[%get3A_13, %get3A_14] : memref<384x128xbf16, #tpu.memory_space<vmem>>, vector<128x128xbf16>
    %dot_general3A_16 = arith.constant dense<0.000000e+00> : vector<10000x128xf32>
    %dot_general3A_17 = tpu.matmul %convert_element_type3A_12, %get3A_15, %dot_general3A_16 {dimension_numbers = #tpu.dot_dimension_numbers<[1], [0], [0], [1], [0, 0, 1, 1], [], []>, transpose_lhs_hint = false} : vector<10000x128xbf16>, vector<128x128xbf16>, vector<10000x128xf32> -> vector<10000x128xf32>
    %add3A = arith.addf %dot_general3A_8, %dot_general3A_17 : vector<10000x128xf32>
    %convert_element_type3A_18 = arith.truncf %get3A_1 : vector<10000x128xf32> to vector<10000x128xbf16>
    %get3A_19 = arith.constant 256 : index
    %get3A_20 = arith.constant 0 : index
    %get3A_21 = vector.load %arg3[%get3A_19, %get3A_20] : memref<384x128xbf16, #tpu.memory_space<vmem>>, vector<128x128xbf16>
    %dot_general3A_22 = arith.constant dense<0.000000e+00> : vector<10000x128xf32>
    %dot_general3A_23 = tpu.matmul %convert_element_type3A_18, %get3A_21, %dot_general3A_22 {dimension_numbers = #tpu.dot_dimension_numbers<[1], [0], [0], [1], [0, 0, 1, 1], [], []>, transpose_lhs_hint = false} : vector<10000x128xbf16>, vector<128x128xbf16>, vector<10000x128xf32> -> vector<10000x128xf32>
    %add3A_24 = arith.addf %add3A, %dot_general3A_23 : vector<10000x128xf32>
    %get3A_25 = arith.constant 0 : index
    %get3A_26 = arith.constant 0 : index
    %get3A_27 = vector.load %arg4[%get3A_25, %get3A_26] : memref<1x128xf32, #tpu.memory_space<vmem>>, vector<1x128xf32>
    %add3A_28 = vector.broadcast %get3A_27 : vector<1x128xf32> to vector<10000x128xf32>
    %add3A_29 = arith.addf %add3A_24, %add3A_28 : vector<10000x128xf32>
    %add3A_30 = arith.addf %add3A_29, %get3A_1 : vector<10000x128xf32>
    %reduce_sum3A = arith.constant dense<0.000000e+00> : vector<128xf32>
    %reduce_sum3A_31 = vector.multi_reduction <add>, %add3A_30, %reduce_sum3A [0] : vector<10000x128xf32> to vector<128xf32>
    %broadcast_in_dim3A = vector.shape_cast %reduce_sum3A_31 : vector<128xf32> to vector<1x128xf32>
    %div3A = arith.constant 1.000000e+04 : f32
    %div3A_32 = vector.broadcast %div3A : f32 to vector<1x128xf32>
    %div3A_33 = arith.divf %broadcast_in_dim3A, %div3A_32 : vector<1x128xf32>
    %sub3A = vector.broadcast %div3A_33 : vector<1x128xf32> to vector<10000x128xf32>
    %sub3A_34 = arith.subf %add3A_30, %sub3A : vector<10000x128xf32>
    %integer_pow3A = arith.mulf %sub3A_34, %sub3A_34 : vector<10000x128xf32>
    %reduce_sum3A_35 = arith.constant dense<0.000000e+00> : vector<128xf32>
    %reduce_sum3A_36 = vector.multi_reduction <add>, %integer_pow3A, %reduce_sum3A_35 [0] : vector<10000x128xf32> to vector<128xf32>
    %broadcast_in_dim3A_37 = vector.shape_cast %reduce_sum3A_36 : vector<128xf32> to vector<1x128xf32>
    %div3A_38 = arith.constant 1.000000e+04 : f32
    %div3A_39 = vector.broadcast %div3A_38 : f32 to vector<1x128xf32>
    %div3A_40 = arith.divf %broadcast_in_dim3A_37, %div3A_39 : vector<1x128xf32>
    %sub3A_41 = vector.broadcast %div3A_33 : vector<1x128xf32> to vector<10000x128xf32>
    %sub3A_42 = arith.subf %add3A_30, %sub3A_41 : vector<10000x128xf32>
    %add3A_43 = arith.constant 9.99999974E-6 : f32
    %add3A_44 = vector.broadcast %add3A_43 : f32 to vector<1x128xf32>
    %add3A_45 = arith.addf %div3A_40, %add3A_44 : vector<1x128xf32>
    %rsqrt3A = math.rsqrt %add3A_45 : vector<1x128xf32>
    %mul3A = vector.broadcast %rsqrt3A : vector<1x128xf32> to vector<10000x128xf32>
    %mul3A_46 = arith.mulf %sub3A_42, %mul3A : vector<10000x128xf32>
    %get3A_47 = arith.constant 0 : index
    %get3A_48 = arith.constant 0 : index
    %get3A_49 = vector.load %arg9[%get3A_47, %get3A_48] : memref<1x128xf32, #tpu.memory_space<vmem>>, vector<1x128xf32>
    %mul3A_50 = vector.broadcast %get3A_49 : vector<1x128xf32> to vector<10000x128xf32>
    %mul3A_51 = arith.mulf %mul3A_46, %mul3A_50 : vector<10000x128xf32>
    %get3A_52 = arith.constant 0 : index
    %get3A_53 = arith.constant 0 : index
    %get3A_54 = vector.load %arg10[%get3A_52, %get3A_53] : memref<1x128xf32, #tpu.memory_space<vmem>>, vector<1x128xf32>
    %add3A_55 = vector.broadcast %get3A_54 : vector<1x128xf32> to vector<10000x128xf32>
    %add3A_56 = arith.addf %mul3A_51, %add3A_55 : vector<10000x128xf32>
    %convert_element_type3A_57 = arith.truncf %add3A_56 : vector<10000x128xf32> to vector<10000x128xbf16>
    %get3A_58 = arith.constant 0 : index
    %get3A_59 = arith.constant 0 : index
    %get3A_60 = vector.load %arg5[%get3A_58, %get3A_59] : memref<128x128xbf16, #tpu.memory_space<vmem>>, vector<128x128xbf16>
    %dot_general3A_61 = arith.constant dense<0.000000e+00> : vector<10000x128xf32>
    %dot_general3A_62 = tpu.matmul %convert_element_type3A_57, %get3A_60, %dot_general3A_61 {dimension_numbers = #tpu.dot_dimension_numbers<[1], [0], [0], [1], [0, 0, 1, 1], [], []>, transpose_lhs_hint = false} : vector<10000x128xbf16>, vector<128x128xbf16>, vector<10000x128xf32> -> vector<10000x128xf32>
    %get3A_63 = arith.constant 0 : index
    %get3A_64 = arith.constant 0 : index
    %get3A_65 = vector.load %arg6[%get3A_63, %get3A_64] : memref<1x128xf32, #tpu.memory_space<vmem>>, vector<1x128xf32>
    %add3A_66 = vector.broadcast %get3A_65 : vector<1x128xf32> to vector<10000x128xf32>
    %add3A_67 = arith.addf %dot_general3A_62, %add3A_66 : vector<10000x128xf32>
    %gt3A = arith.constant 0.000000e+00 : f32
    %gt3A_68 = vector.broadcast %gt3A : f32 to vector<10000x128xf32>
    %gt3A_69 = arith.cmpf ogt, %add3A_67, %gt3A_68 : vector<10000x128xf32>
    %exp3A = math.exp %add3A_67 : vector<10000x128xf32>
    %sub3A_70 = arith.constant 1.000000e+00 : f32
    %sub3A_71 = vector.broadcast %sub3A_70 : f32 to vector<10000x128xf32>
    %sub3A_72 = arith.subf %exp3A, %sub3A_71 : vector<10000x128xf32>
    %select_n3A = arith.select %gt3A_69, %add3A_67, %sub3A_72 : vector<10000x128xi1>, vector<10000x128xf32>
    %convert_element_type3A_73 = arith.truncf %select_n3A : vector<10000x128xf32> to vector<10000x128xbf16>
    %get3A_74 = arith.constant 0 : index
    %get3A_75 = arith.constant 0 : index
    %get3A_76 = vector.load %arg7[%get3A_74, %get3A_75] : memref<128x128xbf16, #tpu.memory_space<vmem>>, vector<128x128xbf16>
    %dot_general3A_77 = arith.constant dense<0.000000e+00> : vector<10000x128xf32>
    %dot_general3A_78 = tpu.matmul %convert_element_type3A_73, %get3A_76, %dot_general3A_77 {dimension_numbers = #tpu.dot_dimension_numbers<[1], [0], [0], [1], [0, 0, 1, 1], [], []>, transpose_lhs_hint = false} : vector<10000x128xbf16>, vector<128x128xbf16>, vector<10000x128xf32> -> vector<10000x128xf32>
    %get3A_79 = arith.constant 0 : index
    %get3A_80 = arith.constant 0 : index
    %get3A_81 = vector.load %arg8[%get3A_79, %get3A_80] : memref<1x128xf32, #tpu.memory_space<vmem>>, vector<1x128xf32>
    %add3A_82 = vector.broadcast %get3A_81 : vector<1x128xf32> to vector<10000x128xf32>
    %add3A_83 = arith.addf %dot_general3A_78, %add3A_82 : vector<10000x128xf32>
    %add3A_84 = arith.addf %add3A_56, %add3A_83 : vector<10000x128xf32>
    %reduce_sum3A_85 = arith.constant dense<0.000000e+00> : vector<128xf32>
    %reduce_sum3A_86 = vector.multi_reduction <add>, %add3A_84, %reduce_sum3A_85 [0] : vector<10000x128xf32> to vector<128xf32>
    %broadcast_in_dim3A_87 = vector.shape_cast %reduce_sum3A_86 : vector<128xf32> to vector<1x128xf32>
    %div3A_88 = arith.constant 1.000000e+04 : f32
    %div3A_89 = vector.broadcast %div3A_88 : f32 to vector<1x128xf32>
    %div3A_90 = arith.divf %broadcast_in_dim3A_87, %div3A_89 : vector<1x128xf32>
    %sub3A_91 = vector.broadcast %div3A_90 : vector<1x128xf32> to vector<10000x128xf32>
    %sub3A_92 = arith.subf %add3A_84, %sub3A_91 : vector<10000x128xf32>
    %integer_pow3A_93 = arith.mulf %sub3A_92, %sub3A_92 : vector<10000x128xf32>
    %reduce_sum3A_94 = arith.constant dense<0.000000e+00> : vector<128xf32>
    %reduce_sum3A_95 = vector.multi_reduction <add>, %integer_pow3A_93, %reduce_sum3A_94 [0] : vector<10000x128xf32> to vector<128xf32>
    %broadcast_in_dim3A_96 = vector.shape_cast %reduce_sum3A_95 : vector<128xf32> to vector<1x128xf32>
    %div3A_97 = arith.constant 1.000000e+04 : f32
    %div3A_98 = vector.broadcast %div3A_97 : f32 to vector<1x128xf32>
    %div3A_99 = arith.divf %broadcast_in_dim3A_96, %div3A_98 : vector<1x128xf32>
    %sub3A_100 = vector.broadcast %div3A_90 : vector<1x128xf32> to vector<10000x128xf32>
    %sub3A_101 = arith.subf %add3A_84, %sub3A_100 : vector<10000x128xf32>
    %add3A_102 = arith.constant 9.99999974E-6 : f32
    %add3A_103 = vector.broadcast %add3A_102 : f32 to vector<1x128xf32>
    %add3A_104 = arith.addf %div3A_99, %add3A_103 : vector<1x128xf32>
    %rsqrt3A_105 = math.rsqrt %add3A_104 : vector<1x128xf32>
    %mul3A_106 = vector.broadcast %rsqrt3A_105 : vector<1x128xf32> to vector<10000x128xf32>
    %mul3A_107 = arith.mulf %sub3A_101, %mul3A_106 : vector<10000x128xf32>
    %get3A_108 = arith.constant 0 : index
    %get3A_109 = arith.constant 0 : index
    %get3A_110 = vector.load %arg11[%get3A_108, %get3A_109] : memref<1x128xf32, #tpu.memory_space<vmem>>, vector<1x128xf32>
    %mul3A_111 = vector.broadcast %get3A_110 : vector<1x128xf32> to vector<10000x128xf32>
    %mul3A_112 = arith.mulf %mul3A_107, %mul3A_111 : vector<10000x128xf32>
    %get3A_113 = arith.constant 0 : index
    %get3A_114 = arith.constant 0 : index
    %get3A_115 = vector.load %arg12[%get3A_113, %get3A_114] : memref<1x128xf32, #tpu.memory_space<vmem>>, vector<1x128xf32>
    %add3A_116 = vector.broadcast %get3A_115 : vector<1x128xf32> to vector<10000x128xf32>
    %add3A_117 = arith.addf %mul3A_112, %add3A_116 : vector<10000x128xf32>
    %swap3A = arith.constant 0 : index
    %swap3A_118 = arith.constant 0 : index
    %swap3A_119 = vector.load %arg13[%swap3A, %swap3A_118] : memref<10000x128xf32, #tpu.memory_space<vmem>>, vector<10000x128xf32>
    tpu.vector_store %arg13[%swap3A, %swap3A_118], %add3A_117 {strides = array<i32>} : memref<10000x128xf32, #tpu.memory_space<vmem>>, vector<10000x128xf32>,
    return
  }
}

</mosaic_0001>

<sc_bundles>
// kernel: kernel.6.cloned.1.call-start
scs
__scs_entry_jumppad:
0x0: {  	(pc) =	sbr.rel $0x88, $3  }
0x1: {  	(tag) =	ssettag $0x0;
	lr =	simm.s32 $0x1  }
0x2: {  	[smem:$0x3F93] =	sst lr;
	_ =	strace $0xD0000000  }
0x3: {  	_ = 	snop  }
0x4: {  	_ = 	snop  }
0x5: {  	_ = 	snop  }
0x6: {  	_ = 	snop  }
0x7: {  	_ = 	snop  }
__scs_overlays_trampoline_lowered:
0x8: {  	[smem:$0x3FA2] =	sst s0  }
0x9: {  	[smem:$0x3FA3] =	sst s1  }
0xa: {  	[smem:$0x3FA4] =	sst s2  }
0xb: {  	[smem:$0x3FA5] =	sst s3  }
0xc: {  	[smem:$0x3FA6] =	sst s4  }
0xd: {  	[smem:$0x3FA7] =	sst s5  }
0xe: {  	[smem:$0x3FA8] =	sst s6  }
0xf: {  	[smem:$0x3FA9] =	sst s7  }
0x10: {  	[smem:$0x3FAA] =	sst s8  }
0x11: {  	[smem:$0x3FAB] =	sst s9;
	s0 =	simm.s32 @!p0 $0x0  }
0x12: {  	s1 =	sld [smem:$0x3F91];
	s0 =	simm.s32 @p0 $0x1  }
0x13: {  	[smem:$0x3FAC] =	sst s0;
	s0 =	simm.s32 @!p1 $0x0  }
0x14: {  	s2 =	sld [smem:$0x3F90];
	s0 =	simm.s32 @p1 $0x1  }
0x15: {  	[smem:$0x3FAD] =	sst s0;
	s0 =	simm.s32 @!p2 $0x0  }
0x16: {  	s3 =	sld [smem:$0x3FDB];
	s0 =	simm.s32 @p2 $0x1  }
0x17: {  	s4 =	simm.s32 $0x1BF5;
	[smem:$0x3FAF] =	sst s0  }
0x18: {  	s0 =	sld [smem:$0x3F92];
	_ =	swait.ge [sflag:s4], $0x0  }
0x19: {  	s7 =	sld [smem:$0x3F93]  }
0x1a: {  	s8 =	sadd.s32 $0xFFFFE003, lr  }
0x1b: {  	s9 =	sadd.s32 $0xFFFFFEF7, lr;
	s5 =	simm.s32 $0xFFFFFFFF;
	p2 =	slt.u32 s8, $0xFFFFF086  }
0x1c: {  	p1 =	slt.u32 s9, $0xF7A;
	s5 =	simm.s32 @!p2 $0x0  }
0x1d: {  	s5 =	simm.s32 @p1 $0x1;
	p0 =	seq.s32 s7, s2  }
0x1e: {  	s7 =	smul.u32 @!p0 $0xF7A, s2;
	p2 =	seq.s32 @!p0 s5, $0x0  }
0x1f: {  	s9 =	smul.u32 $0xF7A, s1;
	s8 =	simm.s32 @!p0 $0x1BF5;
	p2 =	por !p2, p0  }
0x20: {  	[sflag:s8] =	ssyncset.s32 @!p0 $0xFFFFF086;
	s6 =	sadd.s32 @!p0 s3, s7;
	s7 =	simm.s32 @!p0 $0x108  }
0x21: {  	s3 =	sadd.s32 s3, s9;
	s6 =	sadd.s32 @!p0 $0x88, s6;
	s7 =	simm.s32 @p2 $0x1082  }
0x22: {  	[simem:s7], [sflag:s8] =	dma.local @!p0 [hbm:s6], $0xF7A  }
0x23: {  	s9 =	sor.u32 $0xD0000000, s2;
	s6 =	simm.s32 $0x108;
	_ =	swait.ge @!p0 [sflag:s8], $0x0  }
0x24: {  	s3 =	sadd.s32 $0x88, s3;
	s6 =	simm.s32 @!p1 $0x1082;
	[sflag:s4] =	ssyncset.s32 $0xFFFFF086  }
0x25: {  	[simem:s6], [sflag:s4] =	dma.local [hbm:s3], $0xF7A  }
0x26: {  	[smem:$0x3F93] =	sst s1;
	(tag) =	ssettag s2;
	_ =	strace s9  }
0x27: {  	s1 =	sld [smem:$0x3FA3]  }
0x28: {  	s2 =	sld [smem:$0x3FA4]  }
0x29: {  	s4 =	sld [smem:$0x3FA6]  }
0x2a: {  	p0 =	seq.s32 s5, $0x0;
	s5 =	sld [smem:$0x3FA7]  }
0x2b: {  	s6 =	sld [smem:$0x3FA8]  }
0x2c: {  	s7 =	sld [smem:$0x3FA9]  }
0x2d: {  	s3 =	simm.s32 $0x108;
	s8 =	sld [smem:$0x3FAA]  }
0x2e: {  	s3 =	simm.s32 @!p0 $0x1082;
	s9 =	sld [smem:$0x3FAB]  }
0x2f: {  	lr =	sadd.s32 s0, s3;
	s0 =	sld [smem:$0x3FA2]  }
0x30: {  	s3 =	sld [smem:$0x3FA5]  }
0x31: {  	[smem:$0x3FAE] =	sst s10  }
0x32: {  	s10 =	sld [smem:$0x3FAC];
	_ =	sdelay $0x3  }
0x33: {  	p0 =	seq.s32 s10, $0x1;
	s10 =	sld [smem:$0x3FAE];
	_ =	sdelay $0x3  }
0x34: {  	[smem:$0x3FAE] =	sst s10  }
0x35: {  	s10 =	sld [smem:$0x3FAD];
	_ =	sdelay $0x3  }
0x36: {  	p1 =	seq.s32 s10, $0x1;
	s10 =	sld [smem:$0x3FAE];
	_ =	sdelay $0x3  }
0x37: {  	[smem:$0x3FAE] =	sst s10  }
0x38: {  	s10 =	sld [smem:$0x3FAF]  }
0x39: {  	_ = 	snop;
	(pc) =	sbr.ind lr, $3  }
0x3a: {  	_ = 	snop  }
0x3b: {  	_ = 	snop  }
0x3c: {  	p2 =	seq.s32 s10, $0x1;
	s10 =	sld [smem:$0x3FAE]  }
0x3d: {  	_ =	shalt  }
0x3e: {  	_ =	shalt  }
0x3f: {  	_ =	shalt  }
0x40: {  	_ =	shalt  }
0x41: {  	_ =	shalt  }
0x42: {  	_ =	shalt  }
0x43: {  	_ =	shalt  }
0x44: {  	_ =	shalt  }
0x45: {  	_ =	shalt  }
0x46: {  	_ =	shalt  }
0x47: {  	_ =	shalt  }
0x48: {  	_ =	shalt  }
0x49: {  	_ =	shalt  }
0x4a: {  	_ =	shalt  }
0x4b: {  	_ =	shalt  }
0x4c: {  	_ =	shalt  }
0x4d: {  	_ =	shalt  }
0x4e: {  	_ =	shalt  }
0x4f: {  	_ =	shalt  }
0x50: {  	_ =	shalt  }
0x51: {  	_ =	shalt  }
0x52: {  	_ =	shalt  }
0x53: {  	_ =	shalt  }
0x54: {  	_ =	shalt  }
0x55: {  	_ =	shalt  }
0x56: {  	_ =	shalt  }
0x57: {  	_ =	shalt  }
0x58: {  	_ =	shalt  }
0x59: {  	_ =	shalt  }
0x5a: {  	_ =	shalt  }
0x5b: {  	_ =	shalt  }
0x5c: {  	_ =	shalt  }
0x5d: {  	_ =	shalt  }
0x5e: {  	_ =	shalt  }
0x5f: {  	_ =	shalt  }
0x60: {  	_ =	shalt  }
0x61: {  	_ =	shalt  }
0x62: {  	_ =	shalt  }
0x63: {  	_ =	shalt  }
0x64: {  	_ =	shalt  }
0x65: {  	_ =	shalt  }
0x66: {  	_ =	shalt  }
0x67: {  	_ =	shalt  }
0x68: {  	_ =	shalt  }
0x69: {  	_ =	shalt  }
0x6a: {  	_ =	shalt  }
0x6b: {  	_ =	shalt  }
0x6c: {  	_ =	shalt  }
0x6d: {  	_ =	shalt  }
0x6e: {  	_ =	shalt  }
0x6f: {  	_ =	shalt  }
0x70: {  	_ =	shalt  }
0x71: {  	_ =	shalt  }
0x72: {  	_ =	shalt  }
0x73: {  	_ =	shalt  }
0x74: {  	_ =	shalt  }
0x75: {  	_ =	shalt  }
0x76: {  	_ =	shalt  }
0x77: {  	_ =	shalt  }
0x78: {  	_ =	shalt  }
0x79: {  	_ =	shalt  }
0x7a: {  	_ =	shalt  }
0x7b: {  	_ =	shalt  }
0x7c: {  	_ =	shalt  }
0x7d: {  	_ =	shalt  }
0x7e: {  	_ =	shalt  }
0x7f: {  	_ =	shalt  }
0x80: {  	_ =	shalt  }
0x81: {  	_ =	shalt  }
0x82: {  	_ =	shalt  }
0x83: {  	_ =	shalt  }
0x84: {  	_ =	shalt  }
0x85: {  	_ =	shalt  }
0x86: {  	_ =	shalt  }
0x87: {  	_ =	shalt  }
.Lfunc_end0:
.L_simem_size_0:
called_computation_lowered:
.L_overlay_start_0:
0x88: {  	s2 =	sld [smem:$0x3FD9]  }
0x89: {  	s3 =	sld [smem:$0x3FFE];
	_ =	sdelay $0x1  }
0x8a: {  	s1 =	srdreg.scid  }
0x8b: {  	s0 =	sand.u32 $0x1, s1  }
0x8c: {  	s17 =	sshll.u32 s0, $0xA;
	s2 =	sadd.s32 s3, s2  }
0x8d: {  	s2 =	sadd.s32 s2, s17  }
0x8e: {  	[smem:$0x3FBA] =	sst s2  }
0x8f: {  	_ = 	snop  }
0x90: {  	s2 =	sld [smem:$0x3FD0];
	(tm) =	ssettm $0x1  }
0x91: {  	s18 =	sld [smem:$0x3FFB];
	_ =	sdelay $0x3  }
0x92: {  	_ =	strace s18  }
0x93: {  	s3 =	sld [smem:$0x3FFC];
	_ =	sdelay $0x3  }
0x94: {  	_ =	strace s3  }
0x95: {  	s3 =	sld [smem:$0x3FFD];
	_ =	sdelay $0x3  }
0x96: {  	_ =	strace s3  }
0x97: {  	_ =	strace $0x8FFFFFFF  }
0x98: {  	s19 =	sld [smem:$0x3FDB];
	_ =	sdelay $0x1  }
0x99: {  	s4 =	simm.s32 $_scs_section_size  }
0x9a: {  	s5 =	simm.s32 $_size__tile_overlayer_lowered;
	s6 =	simm.s32 $_tile_overlayer_lowered  }
0x9b: {  	s22 =	simm.s32 $0x1BFF;
	s21 =	sshll.u32 s6, $0x1;
	s3 =	sadd.s32 s4, s19  }
0x9c: {  	s7 =	simm.s32 $0x0;
	s20 =	sshll.u32 s5, $0x1;
	s5 =	sadd.s32 s21, s3  }
0x9d: {  	[timem:s7], [sflag:s22] =	dma.local [hbm:s5], s20  }
0x9e: {  	_ =	swait.ge [sflag:s22], s20  }
0x9f: {  	s4 =	ssub.s32 $0x0, s20;
	[sflag:s22] =	ssyncset.done $0x0  }
0xa0: {  	[sflag:s22] =	ssyncadd.s32 s4;
	_ =	sdelay $0x1  }
0xa1: {  	s23 =	simm.s32 $0x1B8B  }
0xa2: {  	_ =	swait.ge [sflag:s23], $0x1  }
0xa3: {  	[sflag:s23] =	ssyncset.done $0x0  }
0xa4: {  	s25 =	simm.s32 $0x1B8E;
	s24 =	sld [smem:$0x3FFE];
	[sflag:s23] =	ssyncadd.s32 $0xFFFFFFFF  }
0xa5: {  	s26 =	simm.s32 $execute0_lowered;
	[smem:$0x3FD2] =	sst s25  }
0xa6: {  	s5 =	sshll.u32 s26, $0x1;
	_ =	strace $0x80000046;
	[dreg:$0x1] =	wrdreg $0xFFFFFFFF  }
0xa7: {  	s28 =	simm.s32 $_size_execute0_lowered;
	s3 =	sadd.s32 s3, s5;
	[dreg:$0x0] =	wrdreg $0x0  }
0xa8: {  	s5 =	sshll.u32 s28, $0x1;
	[dreg:$0x2] =	wrdreg s3  }
0xa9: {  	[dreg:$0x3] =	wrdreg s5  }
0xaa: {  	[dreg:$0x4] =	wrdreg $0xC0  }
0xab: {  	_ =	task [dreg:s7], $0x5FFFF  }
0xac: {  	[dreg:$0x1] =	wrdreg $0xFFFFFFFF  }
0xad: {  	[dreg:$0x0] =	wrdreg $0x60  }
0xae: {  	[dreg:$0x2] =	wrdreg s2  }
0xaf: {  	[dreg:$0x3] =	wrdreg s24  }
0xb0: {  	[dreg:$0x4] =	wrdreg $0x9  }
0xb1: {  	_ =	task.clear_ibuf [dreg:s7], $0x5FFFF;
	_ =	strace $0x90000046  }
0xb2: {  	s29 =	simm.s32 $0x9;
	_ =	strace $0x80000048  }
0xb3: {  	_ =	swait.ge [sflag:s29], $0x1  }
0xb4: {  	[sflag:s29] =	ssyncadd.s32 $0xFFFFFFFF  }
0xb5: {  	_ =	strace $0x90000048  }
0xb6: {  	_ =	sfence  }
0xb7: {  	s30 =	sld [smem:$0x0];
	_ =	sdelay $0x2  }
0xb8: {  	s31 =	sshll.u32 s1, $0xD;
	s1 =	sshrl.u32 s1, $0x2  }
0xb9: {  	s3 =	sand.u32 $0x4000, s31;
	s1 =	sadd.s32 s1, s30  }
0xba: {  	s0 =	sor.u32 s3, s0;
	s1 =	sshll.u32 s1, $0x11  }
0xbb: {  	s0 =	sor.u32 s1, s0  }
0xbc: {  	s0 =	sadd.s32 $0x8F2B, s0  }
0xbd: {  	[sflag:s0] =	ssyncadd.remote.s32 $0x1  }
0xbe: {  	_ =	sfence.sel $0xFFFF  }
0xbf: {  	[dreg:$0x0] =	wrdreg $0xFFFFFFFF;
	(pc) =	sbr.abs _section_cstart, $3  }
0xc0: {  	[dreg:$0x1] =	wrdreg $0xFFFFFFFF  }
0xc1: {  	_ =	task.clear_ibuf [dreg:s7], $0x2FFFF;
	_ =	strace $0x9FFFFFFF  }
0xc2: {  	(tm) =	ssettm $0x7FFFFFFF  }
0xc3: {  	_ =	shalt  }
tec
execute0_lowered:
.L_overlay_start_1:
0x0: {  	(tag) =	ssettag $0x1  }
0x1: {  	s1 =	rddreg [dreg:$0x0]  }
0x2: {  	s7 =	rddreg [dreg:$0x1]  }
0x3: {  	s0 =	rddreg [dreg:$0x2];
	s2 =	simm.s32 $0x0  }
0x4: {  	s3 =	srdreg.scid;
	s13 =	simm.s32 $0x14080;
	s14 =	simm.s32 $0x1  }
0x5: {  	s15 =	simm.s32 $0x18080;
	s16 =	simm.s32 $0x18100;
	s17 =	simm.s32 $0x18500  }
0x6: {  	s18 =	simm.s32 $0x0;
	[smem:$0x7FF] =	sst s2;
	s4 =	sadd.s32 $0x2C00, s7  }
0x7: {  	s5 =	sadd.s32 $0x5400, s7;
	s8 =	sand.u32 $0x1, s3;
	s6 =	sadd.s32 $0x2D400, s7  }
0x8: {  	s3 =	stileid.u32;
	s7 =	sadd.s32 $0x55400, s7;
	_ =	strace $0x80000047  }
0x9: {  	s9 =	ssub.s32 $0x2, s8;
	s11 =	sshll.u32 s3, $0x1;
	s12 =	smul.u32 $0x280, s3  }
0xa: {  	s31 =	smul.u32 $0x140, s8;
	s10 =	sshrl.u32 s9, $0x1;
	s30 =	sor.u32 s8, s11  }
0xb: {  	s11 =	simm.s32 $0x80;
	s9 =	ssub.s32 s9, s10;
	s8 =	smul.u32 $0x140, s30  }
0xc: {  	s10 =	sadd.s32 s31, s12;
	s12 =	simm.s32 $0x2;
	s9 =	smax.u32 s9, $0x1  }
.LBB2_1:
0xd: {  	[tilespmem:s11], [sflag:$0x2] =	stream.linear.gather [hbm4b:s4+s2], $0x14000, $0x38;
	[tilespmem:$0x18900] =	vst v63  }
0xe: {  	_ =	swait.ge [sflag:s12], $0x14000  }
0xf: {  	[sflag:s12] =	ssyncset.done $0x0  }
0x10: {  	s19 =	smov.u32 s10;
	s20 =	simm.s32 $0x0;
	[sflag:s12] =	ssyncadd.s32 $0xFFFEC000  }
.LBB2_2:
0x11: {  	s21 =	sshll.u32 s20, $0x3  }
0x12: {  	s21 =	sadd.s32 s8, s21  }
0x13: {  	s22 =	sshll.u32 s21, $0x1  }
0x14: {  	s23 =	simm.s32 $0x0;
	s22 =	sadd.s32 s1, s22  }
0x15: {  	[tilespmem:s23], [sflag:$0x2] =	stream.linear.gather [hbm4b:s22+s23], $0x80, $0x38;
	[tilespmem:$0x18900] =	vst v63  }
0x16: {  	_ =	swait.ge [sflag:s12], $0x80  }
0x17: {  	[sflag:s12] =	ssyncset.done $0x0  }
0x18: {  	[sflag:s12] =	ssyncadd.s32 $0xFFFFFF80  }
0x19: {  	[tilespmem:s13], [sflag:$0x1] =	stream.indirect.gather [hbm4b:s5+s11], $0x80, s23, s11, $0xb8;
	[tilespmem:$0x18900] =	vst v63  }
0x1a: {  	_ =	swait.ge [sflag:s14], $0x4000  }
0x1b: {  	[sflag:s14] =	ssyncset.done $0x0  }
0x1c: {  	s22 =	simm.s32 $0x0;
	[sflag:s14] =	ssyncadd.s32 $0xFFFFC000  }
0x1d: {  	v0 =	vld [tilespmem:s22+$0x0];
	_ =	sdelay $0x1  }
0x1e: {  	s31 =	sshll.u32 s19, $0x3  }
0x1f: {  	v1 =	vmov s31  }
0x20: {  	v3 =	vor.u32 $0x1, v1  }
0x21: {  	v0 =	vshll.u32 v0, $0x3  }
0x22: {  	v2 =	vor.u32 $0x1, v0  }
0x23: {  	v6 =	vor.u32 $0x2, v1  }
0x24: {  	v5 =	vld.idx.msk [tilespmem:v1+s11+$0x0], $0xffff;
	v4 =	vor.u32 $0x2, v0  }
0x25: {  	v1 =	vor.u32 $0x3, v1;
	v3 =	vld.idx.msk [tilespmem:v3+s11+$0x0], $0xffff  }
0x26: {  	v7 =	vld.idx.msk [tilespmem:v0+s11+$0x0], $0xffff;
	v0 =	vor.u32 $0x3, v0  }
0x27: {  	v2 =	vld.idx.msk [tilespmem:v2+s11+$0x0], $0xffff  }
0x28: {  	v6 =	vld.idx.msk [tilespmem:v6+s11+$0x0], $0xffff  }
0x29: {  	v4 =	vld.idx.msk [tilespmem:v4+s11+$0x0], $0xffff  }
0x2a: {  	v1 =	vld.idx.msk [tilespmem:v1+s11+$0x0], $0xffff  }
0x2b: {  	v0 =	vld.idx.msk [tilespmem:v0+s11+$0x0], $0xffff  }
0x2c: {  	v5 =	vsub.f32 v7, v5;
	v2 =	vsub.f32 v2, v3;
	_ =	sdelay $0x1  }
0x2d: {  	v4 =	vsub.f32 v4, v6;
	v3 =	vmul.f32 v5, v5;
	v2 =	vmul.f32 v2, v2;
	_ =	sdelay $0x1  }
0x2e: {  	v2 =	vadd.f32 v2, v3;
	v3 =	vmul.f32 v4, v4;
	v0 =	vsub.f32 v0, v1;
	_ =	sdelay $0x1  }
0x2f: {  	v1 =	vadd.f32 v3, v2;
	v0 =	vmul.f32 v0, v0;
	_ =	sdelay $0x1  }
0x30: {  	v0 =	vadd.f32 v0, v1;
	_ =	sdelay $0x1  }
0x31: {  	v0 =	vadd.f32 $9.999999970e-07, v0;
	_ =	sdelay $0x1  }
0x32: {  	v0 =	vsub.f32 $0.0e+00, v0;
	_ =	sdelay $0x1  }
0x33: {  	v0 =	vmul.f32 $1.442695020e+00, v0;
	_ =	sdelay $0x1  }
0x34: {  	(erf) = vpow2.f32 v0  }
0x35: {  	s25 =	simm.s32 $0x10  }
0x36: {  	s24 =	simm.s32 $0x80;
	s23 =	smov.u32 s19;
	v0 =	vld [tilespmem:s25+$0x0]  }
.LBB2_3:
0x37: {  	p0 =	sne.s32 s24, $0x1C0  }
0x38: {  	s23 =	sadd.s32 $0x1, s23  }
0x39: {  	s26 =	sshll.u32 s23, $0x3  }
0x3a: {  	v1 =	vmov s26  }
0x3b: {  	v0 =	vshll.u32 v0, $0x3  }
0x3c: {  	v2 =	vor.u32 $0x1, v0  }
0x3d: {  	v3 =	vor.u32 $0x1, v1;
	v4 =	vpop (erf)  }
0x3e: {  	v5 =	vor.u32 $0x2, v0;
	[tilespmem:s22+$0x18080] =	vst v4;
	s22 =	smov.u32 s25  }
0x3f: {  	v6 =	vor.u32 $0x2, v1;
	v4 =	vld.idx.msk [tilespmem:v1+s11+$0x0], $0xffff  }
0x40: {  	v7 =	vld.idx.msk [tilespmem:v0+s11+$0x0], $0xffff;
	v0 =	vor.u32 $0x3, v0  }
0x41: {  	v1 =	vor.u32 $0x3, v1;
	v2 =	vld.idx.msk [tilespmem:v2+s11+$0x0], $0xffff  }
0x42: {  	v3 =	vld.idx.msk [tilespmem:v3+s11+$0x0], $0xffff  }
0x43: {  	v5 =	vld.idx.msk [tilespmem:v5+s11+$0x0], $0xffff  }
0x44: {  	v6 =	vld.idx.msk [tilespmem:v6+s11+$0x0], $0xffff  }
0x45: {  	v0 =	vld.idx.msk [tilespmem:v0+s11+$0x0], $0xffff  }
0x46: {  	v1 =	vld.idx.msk [tilespmem:v1+s11+$0x0], $0xffff;
	_ =	sdelay $0x1  }
0x47: {  	v4 =	vsub.f32 v7, v4;
	v2 =	vsub.f32 v2, v3;
	_ =	sdelay $0x1  }
0x48: {  	v3 =	vmul.f32 v4, v4;
	v2 =	vmul.f32 v2, v2;
	v4 =	vsub.f32 v5, v6;
	_ =	sdelay $0x1  }
0x49: {  	v2 =	vadd.f32 v2, v3;
	v3 =	vmul.f32 v4, v4;
	v0 =	vsub.f32 v0, v1;
	_ =	sdelay $0x1  }
0x4a: {  	v1 =	vadd.f32 v3, v2;
	v0 =	vmul.f32 v0, v0;
	_ =	sdelay $0x1  }
0x4b: {  	v0 =	vadd.f32 v0, v1;
	_ =	sdelay $0x1  }
0x4c: {  	v0 =	vadd.f32 $9.999999970e-07, v0;
	_ =	sdelay $0x1  }
0x4d: {  	v0 =	vsub.f32 $0.0e+00, v0;
	_ =	sdelay $0x1  }
.Ltmp0:
0x4e: {  	v0 =	vmul.f32 $1.442695020e+00, v0;
	(pc) =	sbr.rel @p0 .LBB2_3-.Ltmp0, $4  }
0x4f: {  	_ = 	snop  }
0x50: {  	(erf) = vpow2.f32 v0  }
0x51: {  	s25 =	sshra.s32 s24, $0x2  }
0x52: {  	s24 =	sadd.s32 $0x40, s24;
	v0 =	vld [tilespmem:s25+$0x0]  }
0x53: {  	_ = 	snop  }
0x54: {  	s23 =	sadd.s32 $0x1, s23  }
0x55: {  	s23 =	sshll.u32 s23, $0x3  }
0x56: {  	v1 =	vmov s23  }
0x57: {  	v3 =	vor.u32 $0x1, v1  }
0x58: {  	v0 =	vshll.u32 v0, $0x3  }
0x59: {  	v2 =	vor.u32 $0x1, v0;
	v4 =	vpop (erf)  }
0x5a: {  	v6 =	vor.u32 $0x2, v1;
	[tilespmem:s22+$0x18080] =	vst v4  }
0x5b: {  	v5 =	vor.u32 $0x2, v0;
	v4 =	vld.idx.msk [tilespmem:v1+s11+$0x0], $0xffff  }
0x5c: {  	v1 =	vor.u32 $0x3, v1;
	v3 =	vld.idx.msk [tilespmem:v3+s11+$0x0], $0xffff  }
0x5d: {  	v7 =	vld.idx.msk [tilespmem:v0+s11+$0x0], $0xffff;
	v0 =	vor.u32 $0x3, v0  }
0x5e: {  	v2 =	vld.idx.msk [tilespmem:v2+s11+$0x0], $0xffff  }
0x5f: {  	v6 =	vld.idx.msk [tilespmem:v6+s11+$0x0], $0xffff  }
0x60: {  	v5 =	vld.idx.msk [tilespmem:v5+s11+$0x0], $0xffff  }
0x61: {  	v1 =	vld.idx.msk [tilespmem:v1+s11+$0x0], $0xffff  }
0x62: {  	v0 =	vld.idx.msk [tilespmem:v0+s11+$0x0], $0xffff  }
0x63: {  	v4 =	vsub.f32 v7, v4;
	v2 =	vsub.f32 v2, v3;
	_ =	sdelay $0x1  }
0x64: {  	v61 =	vsub.f32 v5, v6;
	v60 =	vmul.f32 v4, v4;
	v2 =	vmul.f32 v2, v2;
	_ =	sdelay $0x1  }
0x65: {  	v62 =	vmul.f32 v61, v61;
	v2 =	vadd.f32 v2, v60;
	v0 =	vsub.f32 v0, v1;
	_ =	sdelay $0x1  }
0x66: {  	v63 =	vadd.f32 v62, v2;
	v0 =	vmul.f32 v0, v0;
	_ =	sdelay $0x1  }
0x67: {  	v0 =	vadd.f32 v0, v63;
	_ =	sdelay $0x1  }
0x68: {  	v0 =	vadd.f32 $9.999999970e-07, v0;
	_ =	sdelay $0x1  }
0x69: {  	v0 =	vsub.f32 $0.0e+00, v0;
	_ =	sdelay $0x1  }
0x6a: {  	v0 =	vmul.f32 $1.442695020e+00, v0;
	_ =	sdelay $0x1  }
0x6b: {  	(erf) = vpow2.f32 v0;
	_ =	sdelay $0x8  }
0x6c: {  	s24 =	simm.s32 $0x18540;
	v0 =	vpop (erf)  }
0x6d: {  	s23 =	simm.s32 $0x18140;
	s22 =	simm.s32 $0xF;
	[tilespmem:s25+$0x18080] =	vst v0;
	s25 =	simm.s32 $0x14480  }
.LBB2_5:
0x6e: {  	s26 =	sadd.s32 $0xFFFFFFF1, s22  }
0x6f: {  	s30 =	sadd.s32 $0xFFFFFFF2, s22;
	v0 =	vmov s26  }
0x70: {  	v1 =	vmov s30;
	v0 =	vand.u32 $0xFFFFFFF0, v0  }
0x71: {  	s31 =	sadd.s32 $0xFFFFFFF3, s22;
	v1 =	vand.u32 $0xFFFFFFF1, v1;
	v0 =	vbroadcast v0, $0x0  }
0x72: {  	v2 =	vmov s31;
	v1 =	vbroadcast v1, $0x0  }
0x73: {  	s28 =	sadd.s32 $0xFFFFFFF4, s22;
	v2 =	vand.u32 $0xFFFFFFF2, v2  }
0x74: {  	v3 =	vmov s28;
	v2 =	vbroadcast v2, $0x0  }
0x75: {  	s29 =	sadd.s32 $0xFFFFFFF5, s22;
	v6 =	vld [tilespmem:s25+$0xFFFFFC00];
	v3 =	vand.u32 $0xFFFFFFF3, v3  }
0x76: {  	v7 =	vld [tilespmem:s25+$0xFFFFFC80];
	v4 =	vmov s29;
	v3 =	vbroadcast v3, $0x0  }
0x77: {  	s30 =	sadd.s32 $0xFFFFFFF6, s22;
	v4 =	vand.u32 $0xFFFFFFF4, v4;
	v0 =	vld.idx.msk [tilespmem:v0+s15+$0x0], $0xffff  }
0x78: {  	v5 =	vmov s30;
	v4 =	vbroadcast v4, $0x0;
	v1 =	vld.idx.msk [tilespmem:v1+s15+$0x0], $0xffff  }
0x79: {  	v10 =	vld [tilespmem:s25+$0xFFFFFD00];
	s31 =	sadd.s32 $0xFFFFFFF7, s22;
	v5 =	vand.u32 $0xFFFFFFF5, v5  }
0x7a: {  	v8 =	vmov s31;
	v5 =	vbroadcast v5, $0x0;
	v2 =	vld.idx.msk [tilespmem:v2+s15+$0x0], $0xffff  }
0x7b: {  	v12 =	vld [tilespmem:s25+$0xFFFFFD80];
	s28 =	sadd.s32 $0xFFFFFFF8, s22;
	v8 =	vand.u32 $0xFFFFFFF6, v8  }
0x7c: {  	v9 =	vmov s28;
	v8 =	vbroadcast v8, $0x0;
	v3 =	vld.idx.msk [tilespmem:v3+s15+$0x0], $0xffff  }
0x7d: {  	v13 =	vld [tilespmem:s25+$0xFFFFFE00];
	s29 =	sadd.s32 $0xFFFFFFF9, s22;
	v9 =	vand.u32 $0xFFFFFFF7, v9;
	v15 =	vmul.f32 v6, v0;
	v16 =	vmul.f32 v7, v1  }
0x7e: {  	v11 =	vmov s29;
	v9 =	vbroadcast v9, $0x0;
	v4 =	vld.idx.msk [tilespmem:v4+s15+$0x0], $0xffff  }
0x7f: {  	v18 =	vld [tilespmem:s25+$0xFFFFFE80];
	s30 =	sadd.s32 $0xFFFFFFFA, s22;
	v11 =	vand.u32 $0xFFFFFFF8, v11;
	v17 =	vmul.f32 v10, v2;
	v7 =	vadd.f32 v16, v15  }
0x80: {  	v56 =	vmov s30;
	v11 =	vbroadcast v11, $0x0;
	v5 =	vld.idx.msk [tilespmem:v5+s15+$0x0], $0xffff  }
0x81: {  	v20 =	vld [tilespmem:s25+$0xFFFFFF00];
	s31 =	sadd.s32 $0xFFFFFFFB, s22;
	v6 =	vand.u32 $0xFFFFFFF9, v56;
	v19 =	vmul.f32 v12, v3;
	v59 =	vadd.f32 v17, v7  }
0x82: {  	v14 =	vmov s31;
	v57 =	vbroadcast v6, $0x0;
	v6 =	vld.idx.msk [tilespmem:v8+s15+$0x0], $0xffff  }
0x83: {  	v22 =	vld [tilespmem:s25+$0xFFFFFF80];
	s28 =	sadd.s32 $0xFFFFFFFC, s22;
	v58 =	vand.u32 $0xFFFFFFFA, v14;
	v21 =	vmul.f32 v13, v4;
	v62 =	vadd.f32 v19, v59  }
0x84: {  	v61 =	vmov s28;
	v60 =	vbroadcast v58, $0x0;
	v7 =	vld.idx.msk [tilespmem:v9+s15+$0x0], $0xffff  }
0x85: {  	v24 =	vld [tilespmem:s25+$0x0];
	s29 =	sadd.s32 $0xFFFFFFFD, s22;
	v8 =	vand.u32 $0xFFFFFFFB, v61;
	v18 =	vmul.f32 v18, v5;
	v29 =	vadd.f32 v21, v62  }
0x86: {  	v27 =	vmov s29;
	v63 =	vbroadcast v8, $0x0;
	v8 =	vld.idx.msk [tilespmem:v11+s15+$0x0], $0xffff  }
0x87: {  	v25 =	vld [tilespmem:s25+$0x80];
	s30 =	sadd.s32 $0xFFFFFFFE, s22;
	v28 =	vand.u32 $0xFFFFFFFC, v27;
	v20 =	vmul.f32 v20, v6;
	v32 =	vadd.f32 v18, v29  }
0x88: {  	v30 =	vmov s30;
	v23 =	vbroadcast v28, $0x0;
	v9 =	vld.idx.msk [tilespmem:v57+s15+$0x0], $0xffff  }
0x89: {  	s31 =	sadd.s32 $0xFFFFFFFF, s22;
	v27 =	vld [tilespmem:s25+$0x100];
	v31 =	vand.u32 $0xFFFFFFFD, v30;
	v22 =	vmul.f32 v22, v7;
	v26 =	vadd.f32 v20, v32  }
0x8a: {  	v34 =	vmov s31;
	v33 =	vbroadcast v31, $0x0;
	v10 =	vld.idx.msk [tilespmem:v60+s15+$0x0], $0xffff  }
0x8b: {  	v36 =	vld [tilespmem:s25+$0x180];
	v12 =	vand.u32 $0xFFFFFFFE, v34;
	v24 =	vmul.f32 v24, v8;
	v35 =	vadd.f32 v22, v26  }
0x8c: {  	v28 =	vbroadcast v12, $0x0;
	v11 =	vld.idx.msk [tilespmem:v63+s15+$0x0], $0xffff  }
0x8d: {  	v30 =	vld [tilespmem:s25+$0x200];
	v25 =	vmul.f32 v25, v9;
	v37 =	vadd.f32 v24, v35  }
0x8e: {  	v12 =	vld.idx.msk [tilespmem:v23+s15+$0x0], $0xffff  }
0x8f: {  	v31 =	vld [tilespmem:s25+$0x280];
	v27 =	vmul.f32 v27, v10;
	v29 =	vmov s22;
	v23 =	vadd.f32 v25, v37  }
0x90: {  	v13 =	vld.idx.msk [tilespmem:v33+s15+$0x0], $0xffff  }
0x91: {  	v40 =	vld [tilespmem:s25+$0x300];
	v15 =	vmax.f32 v15, v16;
	v39 =	vmul.f32 v36, v11;
	v38 =	vadd.f32 v27, v23  }
0x92: {  	v17 =	vmax.f32 v15, v17;
	v14 =	vld.idx.msk [tilespmem:v28+s15+$0x0], $0xffff  }
0x93: {  	v42 =	vld [tilespmem:s25+$0x380];
	v17 =	vmax.f32 v17, v19;
	v41 =	vmul.f32 v30, v12;
	v16 =	vadd.f32 v39, v38  }
0x94: {  	v17 =	vmax.f32 v17, v21;
	v15 =	vld.idx.msk [tilespmem:v29+s15+$0x0], $0xffff  }
0x95: {  	v43 =	vmul.f32 v31, v13;
	v17 =	vmax.f32 v17, v18;
	v16 =	vadd.f32 v41, v16  }
0x96: {  	v17 =	vmax.f32 v17, v20  }
0x97: {  	v17 =	vmax.f32 v17, v22;
	v44 =	vmul.f32 v40, v14;
	v16 =	vadd.f32 v43, v16  }
0x98: {  	v17 =	vmax.f32 v17, v24  }
0x99: {  	v17 =	vmax.f32 v17, v25;
	v21 =	vmul.f32 v42, v15;
	v16 =	vadd.f32 v44, v16  }
0x9a: {  	v17 =	vmax.f32 v17, v27  }
0x9b: {  	v17 =	vmax.f32 v17, v39;
	v16 =	vadd.f32 v21, v16  }
0x9c: {  	v17 =	vmax.f32 v17, v41  }
0x9d: {  	v17 =	vmax.f32 v17, v43;
	v16 =	vmul.f32 $6.250000000e-02, v16  }
0x9e: {  	v17 =	vmax.f32 v17, v44  }
0x9f: {  	v17 =	vmax.f32 v17, v21;
	[tilespmem:s23+$0xFFFFFFC0] =	vst v16  }
0xa0: {  	[tilespmem:s24+$0xFFFFFFC0] =	vst v17  }
0xa1: {  	v16 =	vld [tilespmem:s25+$0xFFFFFC10]  }
0xa2: {  	v17 =	vld [tilespmem:s25+$0xFFFFFC90];
	_ =	sdelay $0x1  }
0xa3: {  	v45 =	vld [tilespmem:s25+$0xFFFFFD10];
	_ =	sdelay $0x1  }
0xa4: {  	v46 =	vld [tilespmem:s25+$0xFFFFFD90]  }
0xa5: {  	v16 =	vmul.f32 v16, v0;
	v17 =	vmul.f32 v17, v1  }
0xa6: {  	v47 =	vld [tilespmem:s25+$0xFFFFFE10]  }
0xa7: {  	v18 =	vmul.f32 v45, v2;
	v48 =	vadd.f32 v17, v16  }
0xa8: {  	v49 =	vld [tilespmem:s25+$0xFFFFFE90]  }
0xa9: {  	v19 =	vmul.f32 v46, v3;
	v21 =	vadd.f32 v18, v48  }
0xaa: {  	v50 =	vld [tilespmem:s25+$0xFFFFFF10]  }
0xab: {  	v20 =	vmul.f32 v47, v4;
	v21 =	vadd.f32 v19, v21  }
0xac: {  	v51 =	vld [tilespmem:s25+$0xFFFFFF90]  }
0xad: {  	v22 =	vmul.f32 v49, v5;
	v21 =	vadd.f32 v20, v21  }
0xae: {  	v52 =	vld [tilespmem:s25+$0x10]  }
0xaf: {  	v23 =	vmul.f32 v50, v6;
	v21 =	vadd.f32 v22, v21  }
0xb0: {  	v53 =	vld [tilespmem:s25+$0x90]  }
0xb1: {  	v24 =	vmul.f32 v51, v7;
	v21 =	vadd.f32 v23, v21  }
0xb2: {  	v54 =	vld [tilespmem:s25+$0x110]  }
0xb3: {  	v25 =	vmul.f32 v52, v8;
	v21 =	vadd.f32 v24, v21  }
0xb4: {  	v55 =	vld [tilespmem:s25+$0x190]  }
0xb5: {  	v26 =	vmul.f32 v53, v9;
	v21 =	vadd.f32 v25, v21  }
0xb6: {  	v56 =	vld [tilespmem:s25+$0x210]  }
0xb7: {  	v27 =	vmul.f32 v54, v10;
	v21 =	vadd.f32 v26, v21  }
0xb8: {  	v57 =	vld [tilespmem:s25+$0x290]  }
0xb9: {  	v59 =	vmul.f32 v55, v11;
	v16 =	vmax.f32 v16, v17;
	v58 =	vadd.f32 v27, v21  }
0xba: {  	v60 =	vld [tilespmem:s25+$0x310];
	v16 =	vmax.f32 v16, v18  }
0xbb: {  	v61 =	vmul.f32 v56, v12;
	v16 =	vmax.f32 v16, v19;
	v17 =	vadd.f32 v59, v58  }
0xbc: {  	v62 =	vld [tilespmem:s25+$0x390];
	v16 =	vmax.f32 v16, v20  }
0xbd: {  	v63 =	vmul.f32 v57, v13;
	v16 =	vmax.f32 v16, v22;
	v17 =	vadd.f32 v61, v17  }
0xbe: {  	v16 =	vmax.f32 v16, v23  }
0xbf: {  	v18 =	vmul.f32 v60, v14;
	v16 =	vmax.f32 v16, v24;
	v17 =	vadd.f32 v63, v17  }
0xc0: {  	v16 =	vmax.f32 v16, v25  }
0xc1: {  	v20 =	vmul.f32 v62, v15;
	v16 =	vmax.f32 v16, v26;
	v17 =	vadd.f32 v18, v17  }
0xc2: {  	v16 =	vmax.f32 v16, v27  }
0xc3: {  	v16 =	vmax.f32 v16, v59;
	v17 =	vadd.f32 v20, v17  }
0xc4: {  	v16 =	vmax.f32 v16, v61  }
0xc5: {  	v16 =	vmax.f32 v16, v63;
	v17 =	vmul.f32 $6.250000000e-02, v17  }
0xc6: {  	v16 =	vmax.f32 v16, v18  }
0xc7: {  	v16 =	vmax.f32 v16, v20;
	[tilespmem:s23+$0xFFFFFFD0] =	vst v17  }
0xc8: {  	[tilespmem:s24+$0xFFFFFFD0] =	vst v16  }
0xc9: {  	v16 =	vld [tilespmem:s25+$0xFFFFFC20]  }
0xca: {  	v17 =	vld [tilespmem:s25+$0xFFFFFCA0];
	_ =	sdelay $0x1  }
0xcb: {  	v26 =	vld [tilespmem:s25+$0xFFFFFD20];
	_ =	sdelay $0x1  }
0xcc: {  	v27 =	vld [tilespmem:s25+$0xFFFFFDA0]  }
0xcd: {  	v16 =	vmul.f32 v16, v0;
	v17 =	vmul.f32 v17, v1  }
0xce: {  	v28 =	vld [tilespmem:s25+$0xFFFFFE20]  }
0xcf: {  	v18 =	vmul.f32 v26, v2;
	v29 =	vadd.f32 v17, v16  }
0xd0: {  	v30 =	vld [tilespmem:s25+$0xFFFFFEA0]  }
0xd1: {  	v19 =	vmul.f32 v27, v3;
	v21 =	vadd.f32 v18, v29  }
0xd2: {  	v31 =	vld [tilespmem:s25+$0xFFFFFF20]  }
0xd3: {  	v20 =	vmul.f32 v28, v4;
	v21 =	vadd.f32 v19, v21  }
0xd4: {  	v32 =	vld [tilespmem:s25+$0xFFFFFFA0]  }
0xd5: {  	v22 =	vmul.f32 v30, v5;
	v21 =	vadd.f32 v20, v21  }
0xd6: {  	v33 =	vld [tilespmem:s25+$0x20]  }
0xd7: {  	v23 =	vmul.f32 v31, v6;
	v21 =	vadd.f32 v22, v21  }
0xd8: {  	v34 =	vld [tilespmem:s25+$0xA0]  }
0xd9: {  	v24 =	vmul.f32 v32, v7;
	v21 =	vadd.f32 v23, v21  }
0xda: {  	v35 =	vld [tilespmem:s25+$0x120]  }
0xdb: {  	v25 =	vmul.f32 v33, v8;
	v21 =	vadd.f32 v24, v21  }
0xdc: {  	v36 =	vld [tilespmem:s25+$0x1A0]  }
0xdd: {  	v26 =	vmul.f32 v34, v9;
	v21 =	vadd.f32 v25, v21  }
0xde: {  	v37 =	vld [tilespmem:s25+$0x220]  }
0xdf: {  	v27 =	vmul.f32 v35, v10;
	v21 =	vadd.f32 v26, v21  }
0xe0: {  	v38 =	vld [tilespmem:s25+$0x2A0]  }
0xe1: {  	v40 =	vmul.f32 v36, v11;
	v16 =	vmax.f32 v16, v17;
	v39 =	vadd.f32 v27, v21  }
0xe2: {  	v41 =	vld [tilespmem:s25+$0x320];
	v16 =	vmax.f32 v16, v18  }
0xe3: {  	v42 =	vmul.f32 v37, v12;
	v16 =	vmax.f32 v16, v19;
	v17 =	vadd.f32 v40, v39  }
0xe4: {  	v43 =	vld [tilespmem:s25+$0x3A0];
	v16 =	vmax.f32 v16, v20  }
0xe5: {  	v44 =	vmul.f32 v38, v13;
	v16 =	vmax.f32 v16, v22;
	v17 =	vadd.f32 v42, v17  }
0xe6: {  	v16 =	vmax.f32 v16, v23  }
0xe7: {  	v18 =	vmul.f32 v41, v14;
	v16 =	vmax.f32 v16, v24;
	v17 =	vadd.f32 v44, v17  }
0xe8: {  	v16 =	vmax.f32 v16, v25  }
0xe9: {  	v20 =	vmul.f32 v43, v15;
	v16 =	vmax.f32 v16, v26;
	v17 =	vadd.f32 v18, v17  }
0xea: {  	v16 =	vmax.f32 v16, v27  }
0xeb: {  	v16 =	vmax.f32 v16, v40;
	v17 =	vadd.f32 v20, v17  }
0xec: {  	v16 =	vmax.f32 v16, v42  }
0xed: {  	v16 =	vmax.f32 v16, v44;
	v17 =	vmul.f32 $6.250000000e-02, v17  }
0xee: {  	v16 =	vmax.f32 v16, v18  }
0xef: {  	v16 =	vmax.f32 v16, v20;
	[tilespmem:s23+$0xFFFFFFE0] =	vst v17  }
0xf0: {  	[tilespmem:s24+$0xFFFFFFE0] =	vst v16  }
0xf1: {  	v16 =	vld [tilespmem:s25+$0xFFFFFC30]  }
0xf2: {  	v17 =	vld [tilespmem:s25+$0xFFFFFCB0];
	_ =	sdelay $0x1  }
0xf3: {  	v45 =	vld [tilespmem:s25+$0xFFFFFD30];
	_ =	sdelay $0x1  }
0xf4: {  	v46 =	vld [tilespmem:s25+$0xFFFFFDB0]  }
0xf5: {  	v16 =	vmul.f32 v16, v0;
	v17 =	vmul.f32 v17, v1  }
0xf6: {  	v47 =	vld [tilespmem:s25+$0xFFFFFE30]  }
0xf7: {  	v18 =	vmul.f32 v45, v2;
	v48 =	vadd.f32 v17, v16  }
0xf8: {  	v49 =	vld [tilespmem:s25+$0xFFFFFEB0]  }
0xf9: {  	v19 =	vmul.f32 v46, v3;
	v21 =	vadd.f32 v18, v48  }
0xfa: {  	v50 =	vld [tilespmem:s25+$0xFFFFFF30]  }
0xfb: {  	v20 =	vmul.f32 v47, v4;
	v21 =	vadd.f32 v19, v21  }
0xfc: {  	v51 =	vld [tilespmem:s25+$0xFFFFFFB0]  }
0xfd: {  	v22 =	vmul.f32 v49, v5;
	v21 =	vadd.f32 v20, v21  }
0xfe: {  	v52 =	vld [tilespmem:s25+$0x30]  }
0xff: {  	v23 =	vmul.f32 v50, v6;
	v21 =	vadd.f32 v22, v21  }
0x100: {  	v53 =	vld [tilespmem:s25+$0xB0]  }
0x101: {  	v24 =	vmul.f32 v51, v7;
	v21 =	vadd.f32 v23, v21  }
0x102: {  	v54 =	vld [tilespmem:s25+$0x130]  }
0x103: {  	v25 =	vmul.f32 v52, v8;
	v21 =	vadd.f32 v24, v21  }
0x104: {  	v55 =	vld [tilespmem:s25+$0x1B0]  }
0x105: {  	v26 =	vmul.f32 v53, v9;
	v21 =	vadd.f32 v25, v21  }
0x106: {  	v56 =	vld [tilespmem:s25+$0x230]  }
0x107: {  	v27 =	vmul.f32 v54, v10;
	v21 =	vadd.f32 v26, v21  }
0x108: {  	v57 =	vld [tilespmem:s25+$0x2B0]  }
0x109: {  	v59 =	vmul.f32 v55, v11;
	v16 =	vmax.f32 v16, v17;
	v58 =	vadd.f32 v27, v21  }
0x10a: {  	v60 =	vld [tilespmem:s25+$0x330];
	v16 =	vmax.f32 v16, v18  }
0x10b: {  	v61 =	vmul.f32 v56, v12;
	v16 =	vmax.f32 v16, v19;
	v17 =	vadd.f32 v59, v58  }
0x10c: {  	v62 =	vld [tilespmem:s25+$0x3B0];
	v16 =	vmax.f32 v16, v20  }
0x10d: {  	v63 =	vmul.f32 v57, v13;
	v16 =	vmax.f32 v16, v22;
	v17 =	vadd.f32 v61, v17  }
0x10e: {  	v16 =	vmax.f32 v16, v23  }
0x10f: {  	v18 =	vmul.f32 v60, v14;
	v16 =	vmax.f32 v16, v24;
	v17 =	vadd.f32 v63, v17  }
0x110: {  	v16 =	vmax.f32 v16, v25  }
0x111: {  	v20 =	vmul.f32 v62, v15;
	v16 =	vmax.f32 v16, v26;
	v17 =	vadd.f32 v18, v17  }
0x112: {  	v16 =	vmax.f32 v16, v27  }
0x113: {  	v16 =	vmax.f32 v16, v59;
	v17 =	vadd.f32 v20, v17  }
0x114: {  	v16 =	vmax.f32 v16, v61  }
0x115: {  	v16 =	vmax.f32 v16, v63;
	v17 =	vmul.f32 $6.250000000e-02, v17  }
0x116: {  	v16 =	vmax.f32 v16, v18  }
0x117: {  	v16 =	vmax.f32 v16, v20;
	[tilespmem:s23+$0xFFFFFFF0] =	vst v17  }
0x118: {  	[tilespmem:s24+$0xFFFFFFF0] =	vst v16  }
0x119: {  	v16 =	vld [tilespmem:s25+$0xFFFFFC40]  }
0x11a: {  	v17 =	vld [tilespmem:s25+$0xFFFFFCC0];
	_ =	sdelay $0x1  }
0x11b: {  	v26 =	vld [tilespmem:s25+$0xFFFFFD40];
	_ =	sdelay $0x1  }
0x11c: {  	v27 =	vld [tilespmem:s25+$0xFFFFFDC0]  }
0x11d: {  	v16 =	vmul.f32 v16, v0;
	v17 =	vmul.f32 v17, v1  }
0x11e: {  	v28 =	vld [tilespmem:s25+$0xFFFFFE40]  }
0x11f: {  	v18 =	vmul.f32 v26, v2;
	v29 =	vadd.f32 v17, v16  }
0x120: {  	v30 =	vld [tilespmem:s25+$0xFFFFFEC0]  }
0x121: {  	v19 =	vmul.f32 v27, v3;
	v21 =	vadd.f32 v18, v29  }
0x122: {  	v31 =	vld [tilespmem:s25+$0xFFFFFF40]  }
0x123: {  	v20 =	vmul.f32 v28, v4;
	v21 =	vadd.f32 v19, v21  }
0x124: {  	v32 =	vld [tilespmem:s25+$0xFFFFFFC0]  }
0x125: {  	v22 =	vmul.f32 v30, v5;
	v21 =	vadd.f32 v20, v21  }
0x126: {  	v33 =	vld [tilespmem:s25+$0x40]  }
0x127: {  	v23 =	vmul.f32 v31, v6;
	v21 =	vadd.f32 v22, v21  }
0x128: {  	v34 =	vld [tilespmem:s25+$0xC0]  }
0x129: {  	v24 =	vmul.f32 v32, v7;
	v21 =	vadd.f32 v23, v21  }
0x12a: {  	v35 =	vld [tilespmem:s25+$0x140]  }
0x12b: {  	v25 =	vmul.f32 v33, v8;
	v21 =	vadd.f32 v24, v21  }
0x12c: {  	v36 =	vld [tilespmem:s25+$0x1C0]  }
0x12d: {  	v26 =	vmul.f32 v34, v9;
	v21 =	vadd.f32 v25, v21  }
0x12e: {  	v37 =	vld [tilespmem:s25+$0x240]  }
0x12f: {  	v27 =	vmul.f32 v35, v10;
	v21 =	vadd.f32 v26, v21  }
0x130: {  	v38 =	vld [tilespmem:s25+$0x2C0]  }
0x131: {  	v40 =	vmul.f32 v36, v11;
	v16 =	vmax.f32 v16, v17;
	v39 =	vadd.f32 v27, v21  }
0x132: {  	v41 =	vld [tilespmem:s25+$0x340];
	v16 =	vmax.f32 v16, v18  }
0x133: {  	v42 =	vmul.f32 v37, v12;
	v16 =	vmax.f32 v16, v19;
	v17 =	vadd.f32 v40, v39  }
0x134: {  	v43 =	vld [tilespmem:s25+$0x3C0];
	v16 =	vmax.f32 v16, v20  }
0x135: {  	v44 =	vmul.f32 v38, v13;
	v16 =	vmax.f32 v16, v22;
	v17 =	vadd.f32 v42, v17  }
0x136: {  	v16 =	vmax.f32 v16, v23  }
0x137: {  	v18 =	vmul.f32 v41, v14;
	v16 =	vmax.f32 v16, v24;
	v17 =	vadd.f32 v44, v17  }
0x138: {  	v16 =	vmax.f32 v16, v25  }
0x139: {  	v20 =	vmul.f32 v43, v15;
	v16 =	vmax.f32 v16, v26;
	v17 =	vadd.f32 v18, v17  }
0x13a: {  	v16 =	vmax.f32 v16, v27  }
0x13b: {  	v16 =	vmax.f32 v16, v40;
	v17 =	vadd.f32 v20, v17  }
0x13c: {  	v16 =	vmax.f32 v16, v42  }
0x13d: {  	v16 =	vmax.f32 v16, v44;
	v17 =	vmul.f32 $6.250000000e-02, v17  }
0x13e: {  	v16 =	vmax.f32 v16, v18  }
0x13f: {  	v16 =	vmax.f32 v16, v20;
	[tilespmem:s23+$0x0] =	vst v17  }
0x140: {  	[tilespmem:s24+$0x0] =	vst v16  }
0x141: {  	v16 =	vld [tilespmem:s25+$0xFFFFFC50]  }
0x142: {  	v17 =	vld [tilespmem:s25+$0xFFFFFCD0];
	_ =	sdelay $0x1  }
0x143: {  	v45 =	vld [tilespmem:s25+$0xFFFFFD50];
	_ =	sdelay $0x1  }
0x144: {  	v46 =	vld [tilespmem:s25+$0xFFFFFDD0]  }
0x145: {  	v16 =	vmul.f32 v16, v0;
	v17 =	vmul.f32 v17, v1  }
0x146: {  	v47 =	vld [tilespmem:s25+$0xFFFFFE50]  }
0x147: {  	v18 =	vmul.f32 v45, v2;
	v48 =	vadd.f32 v17, v16  }
0x148: {  	v49 =	vld [tilespmem:s25+$0xFFFFFED0]  }
0x149: {  	v19 =	vmul.f32 v46, v3;
	v21 =	vadd.f32 v18, v48  }
0x14a: {  	v50 =	vld [tilespmem:s25+$0xFFFFFF50]  }
0x14b: {  	v20 =	vmul.f32 v47, v4;
	v21 =	vadd.f32 v19, v21  }
0x14c: {  	v51 =	vld [tilespmem:s25+$0xFFFFFFD0]  }
0x14d: {  	v22 =	vmul.f32 v49, v5;
	v21 =	vadd.f32 v20, v21  }
0x14e: {  	v52 =	vld [tilespmem:s25+$0x50]  }
0x14f: {  	v23 =	vmul.f32 v50, v6;
	v21 =	vadd.f32 v22, v21  }
0x150: {  	v53 =	vld [tilespmem:s25+$0xD0]  }
0x151: {  	v24 =	vmul.f32 v51, v7;
	v21 =	vadd.f32 v23, v21  }
0x152: {  	v54 =	vld [tilespmem:s25+$0x150]  }
0x153: {  	v25 =	vmul.f32 v52, v8;
	v21 =	vadd.f32 v24, v21  }
0x154: {  	v55 =	vld [tilespmem:s25+$0x1D0]  }
0x155: {  	v26 =	vmul.f32 v53, v9;
	v21 =	vadd.f32 v25, v21  }
0x156: {  	v56 =	vld [tilespmem:s25+$0x250]  }
0x157: {  	v27 =	vmul.f32 v54, v10;
	v21 =	vadd.f32 v26, v21  }
0x158: {  	v57 =	vld [tilespmem:s25+$0x2D0]  }
0x159: {  	v59 =	vmul.f32 v55, v11;
	v16 =	vmax.f32 v16, v17;
	v58 =	vadd.f32 v27, v21  }
0x15a: {  	v60 =	vld [tilespmem:s25+$0x350];
	v16 =	vmax.f32 v16, v18  }
0x15b: {  	v61 =	vmul.f32 v56, v12;
	v16 =	vmax.f32 v16, v19;
	v17 =	vadd.f32 v59, v58  }
0x15c: {  	v62 =	vld [tilespmem:s25+$0x3D0];
	v16 =	vmax.f32 v16, v20  }
0x15d: {  	v63 =	vmul.f32 v57, v13;
	v16 =	vmax.f32 v16, v22;
	v17 =	vadd.f32 v61, v17  }
0x15e: {  	v16 =	vmax.f32 v16, v23  }
0x15f: {  	v18 =	vmul.f32 v60, v14;
	v16 =	vmax.f32 v16, v24;
	v17 =	vadd.f32 v63, v17  }
0x160: {  	v16 =	vmax.f32 v16, v25  }
0x161: {  	v20 =	vmul.f32 v62, v15;
	v16 =	vmax.f32 v16, v26;
	v17 =	vadd.f32 v18, v17  }
0x162: {  	v16 =	vmax.f32 v16, v27  }
0x163: {  	v16 =	vmax.f32 v16, v59;
	v17 =	vadd.f32 v20, v17  }
0x164: {  	v16 =	vmax.f32 v16, v61  }
0x165: {  	v16 =	vmax.f32 v16, v63;
	v17 =	vmul.f32 $6.250000000e-02, v17  }
0x166: {  	v16 =	vmax.f32 v16, v18  }
0x167: {  	v16 =	vmax.f32 v16, v20;
	[tilespmem:s23+$0x10] =	vst v17  }
0x168: {  	[tilespmem:s24+$0x10] =	vst v16  }
0x169: {  	v16 =	vld [tilespmem:s25+$0xFFFFFC60]  }
0x16a: {  	v17 =	vld [tilespmem:s25+$0xFFFFFCE0];
	_ =	sdelay $0x1  }
0x16b: {  	v28 =	vld [tilespmem:s25+$0xFFFFFD60];
	_ =	sdelay $0x1  }
0x16c: {  	v29 =	vld [tilespmem:s25+$0xFFFFFDE0]  }
0x16d: {  	v16 =	vmul.f32 v16, v0;
	v17 =	vmul.f32 v17, v1  }
0x16e: {  	v30 =	vld [tilespmem:s25+$0xFFFFFE60]  }
0x16f: {  	v18 =	vmul.f32 v28, v2;
	v31 =	vadd.f32 v17, v16  }
0x170: {  	v32 =	vld [tilespmem:s25+$0xFFFFFEE0]  }
0x171: {  	v19 =	vmul.f32 v29, v3;
	v21 =	vadd.f32 v18, v31  }
0x172: {  	v33 =	vld [tilespmem:s25+$0xFFFFFF60]  }
0x173: {  	v20 =	vmul.f32 v30, v4;
	v21 =	vadd.f32 v19, v21  }
0x174: {  	v34 =	vld [tilespmem:s25+$0xFFFFFFE0]  }
0x175: {  	v22 =	vmul.f32 v32, v5;
	v21 =	vadd.f32 v20, v21  }
0x176: {  	v35 =	vld [tilespmem:s25+$0x60]  }
0x177: {  	v23 =	vmul.f32 v33, v6;
	v21 =	vadd.f32 v22, v21  }
0x178: {  	v36 =	vld [tilespmem:s25+$0xE0]  }
0x179: {  	v24 =	vmul.f32 v34, v7;
	v21 =	vadd.f32 v23, v21  }
0x17a: {  	v37 =	vld [tilespmem:s25+$0x160]  }
0x17b: {  	v25 =	vmul.f32 v35, v8;
	v21 =	vadd.f32 v24, v21  }
0x17c: {  	v38 =	vld [tilespmem:s25+$0x1E0]  }
0x17d: {  	v26 =	vmul.f32 v36, v9;
	v21 =	vadd.f32 v25, v21  }
0x17e: {  	v39 =	vld [tilespmem:s25+$0x260]  }
0x17f: {  	v27 =	vmul.f32 v37, v10;
	v21 =	vadd.f32 v26, v21  }
0x180: {  	v40 =	vld [tilespmem:s25+$0x2E0]  }
0x181: {  	v42 =	vmul.f32 v38, v11;
	v16 =	vmax.f32 v16, v17;
	v41 =	vadd.f32 v27, v21  }
0x182: {  	v43 =	vld [tilespmem:s25+$0x360];
	v16 =	vmax.f32 v16, v18  }
0x183: {  	v44 =	vmul.f32 v39, v12;
	v16 =	vmax.f32 v16, v19;
	v17 =	vadd.f32 v42, v41  }
0x184: {  	v45 =	vld [tilespmem:s25+$0x3E0];
	v16 =	vmax.f32 v16, v20  }
0x185: {  	v46 =	vmul.f32 v40, v13;
	v16 =	vmax.f32 v16, v22;
	v17 =	vadd.f32 v44, v17  }
0x186: {  	v16 =	vmax.f32 v16, v23  }
0x187: {  	v18 =	vmul.f32 v43, v14;
	v16 =	vmax.f32 v16, v24;
	v17 =	vadd.f32 v46, v17  }
0x188: {  	v16 =	vmax.f32 v16, v25  }
0x189: {  	v20 =	vmul.f32 v45, v15;
	v16 =	vmax.f32 v16, v26;
	v17 =	vadd.f32 v18, v17  }
0x18a: {  	v16 =	vmax.f32 v16, v27  }
0x18b: {  	v16 =	vmax.f32 v16, v42;
	v17 =	vadd.f32 v20, v17  }
0x18c: {  	v16 =	vmax.f32 v16, v44  }
0x18d: {  	v16 =	vmax.f32 v16, v46;
	v17 =	vmul.f32 $6.250000000e-02, v17  }
0x18e: {  	v16 =	vmax.f32 v16, v18  }
0x18f: {  	v16 =	vmax.f32 v16, v20;
	[tilespmem:s23+$0x20] =	vst v17  }
0x190: {  	[tilespmem:s24+$0x20] =	vst v16  }
0x191: {  	v16 =	vld [tilespmem:s25+$0xFFFFFC70]  }
0x192: {  	v17 =	vld [tilespmem:s25+$0xFFFFFCF0];
	_ =	sdelay $0x1  }
0x193: {  	v47 =	vld [tilespmem:s25+$0xFFFFFD70];
	_ =	sdelay $0x1  }
0x194: {  	v48 =	vld [tilespmem:s25+$0xFFFFFDF0]  }
0x195: {  	v0 =	vmul.f32 v16, v0;
	v1 =	vmul.f32 v17, v1  }
0x196: {  	v49 =	vld [tilespmem:s25+$0xFFFFFE70]  }
0x197: {  	v2 =	vmul.f32 v47, v2;
	v17 =	vadd.f32 v1, v0  }
0x198: {  	v50 =	vld [tilespmem:s25+$0xFFFFFEF0]  }
0x199: {  	v3 =	vmul.f32 v48, v3;
	v17 =	vadd.f32 v2, v17  }
0x19a: {  	v51 =	vld [tilespmem:s25+$0xFFFFFF70]  }
0x19b: {  	v4 =	vmul.f32 v49, v4;
	v17 =	vadd.f32 v3, v17  }
0x19c: {  	v52 =	vld [tilespmem:s25+$0xFFFFFFF0]  }
0x19d: {  	v5 =	vmul.f32 v50, v5;
	v17 =	vadd.f32 v4, v17  }
0x19e: {  	v53 =	vld [tilespmem:s25+$0x70]  }
0x19f: {  	v6 =	vmul.f32 v51, v6;
	v17 =	vadd.f32 v5, v17  }
0x1a0: {  	v54 =	vld [tilespmem:s25+$0xF0]  }
0x1a1: {  	v7 =	vmul.f32 v52, v7;
	v17 =	vadd.f32 v6, v17  }
0x1a2: {  	v55 =	vld [tilespmem:s25+$0x170]  }
0x1a3: {  	v8 =	vmul.f32 v53, v8;
	v17 =	vadd.f32 v7, v17  }
0x1a4: {  	v56 =	vld [tilespmem:s25+$0x1F0]  }
0x1a5: {  	v9 =	vmul.f32 v54, v9;
	v17 =	vadd.f32 v8, v17  }
0x1a6: {  	v57 =	vld [tilespmem:s25+$0x270]  }
0x1a7: {  	v10 =	vmul.f32 v55, v10;
	v17 =	vadd.f32 v9, v17  }
0x1a8: {  	v58 =	vld [tilespmem:s25+$0x2F0]  }
0x1a9: {  	v11 =	vmul.f32 v56, v11;
	v0 =	vmax.f32 v0, v1;
	v59 =	vadd.f32 v10, v17  }
0x1aa: {  	v60 =	vld [tilespmem:s25+$0x370];
	v0 =	vmax.f32 v0, v2  }
0x1ab: {  	v61 =	vmul.f32 v57, v12;
	v0 =	vmax.f32 v0, v3;
	v1 =	vadd.f32 v11, v59  }
0x1ac: {  	v62 =	vld [tilespmem:s25+$0x3F0];
	v0 =	vmax.f32 v0, v4  }
0x1ad: {  	v63 =	vmul.f32 v58, v13;
	v0 =	vmax.f32 v0, v5;
	v1 =	vadd.f32 v61, v1  }
0x1ae: {  	v0 =	vmax.f32 v0, v6  }
0x1af: {  	v2 =	vmul.f32 v60, v14;
	v0 =	vmax.f32 v0, v7;
	v1 =	vadd.f32 v63, v1  }
0x1b0: {  	v0 =	vmax.f32 v0, v8  }
0x1b1: {  	v4 =	vmul.f32 v62, v15;
	v0 =	vmax.f32 v0, v9;
	v1 =	vadd.f32 v2, v1  }
0x1b2: {  	v0 =	vmax.f32 v0, v10  }
0x1b3: {  	p0 =	sne.s32 s22, $0x7F;
	v0 =	vmax.f32 v0, v11;
	v1 =	vadd.f32 v4, v1  }
.Ltmp1:
0x1b4: {  	v0 =	vmax.f32 v0, v61;
	(pc) =	sbr.rel @p0 .LBB2_5-.Ltmp1, $4  }
0x1b5: {  	v0 =	vmax.f32 v0, v63;
	v1 =	vmul.f32 $6.250000000e-02, v1  }
0x1b6: {  	v0 =	vmax.f32 v0, v2  }
0x1b7: {  	s22 =	sadd.s32 $0x10, s22;
	v0 =	vmax.f32 v0, v4;
	[tilespmem:s23+$0x30] =	vst v1  }
0x1b8: {  	s25 =	sadd.s32 $0x800, s25;
	s23 =	sadd.s32 $0x80, s23;
	[tilespmem:s24+$0x30] =	vst v0;
	s24 =	sadd.s32 $0x80, s24  }
0x1b9: {  	s21 =	sshll.u32 s21, $0x4  }
0x1ba: {  	s22 =	sadd.s32 s6, s21  }
0x1bb: {  	[hbm4b:s22+s2] =	stream.linear.scatter [tilespmem:s16], [sflag:$0x2], $0x400, $0x38;
	[tilespmem:$0x18900] =	vst v63  }
0x1bc: {  	s20 =	sadd.s32 $0x1, s20;
	_ =	swait.ge [sflag:s12], $0x400  }
0x1bd: {  	p0 =	sne.s32 s20, $0x28;
	[sflag:s12] =	ssyncset.done $0x0  }
.Ltmp2:
0x1be: {  	s21 =	sadd.s32 s7, s21;
	[sflag:s12] =	ssyncadd.s32 $0xFFFFFC00;
	(pc) =	sbr.rel @p0 .LBB2_2-.Ltmp2, $4  }
0x1bf: {  	[hbm4b:s21+s2] =	stream.linear.scatter [tilespmem:s17], [sflag:$0x2], $0x400, $0x38;
	[tilespmem:$0x18900] =	vst v63  }
0x1c0: {  	_ =	swait.ge [sflag:s12], $0x400  }
0x1c1: {  	[sflag:s12] =	ssyncset.done $0x0  }
0x1c2: {  	s19 =	sadd.s32 $0x8, s19;
	[sflag:s12] =	ssyncadd.s32 $0xFFFFFC00  }
0x1c3: {  	s18 =	sadd.s32 $0x1, s18  }
0x1c4: {  	p0 =	sne.s32 s18, s9  }
.Ltmp3:
0x1c5: {  	_ = 	snop;
	(pc) =	sbr.rel @p0 .LBB2_1-.Ltmp3, $1  }
0x1c6: {  	_ =	sdelay $0x3  }
0x1c7: {  	_ =	sfence.sel $0x180000  }
0x1c8: {  	[bflag:$0x0] =	sbarrier.arrive $0xFFFF  }
0x1c9: {  	p0 =	sne.s32 s3, $0x0;
	_ =	strace $0x90000047  }
0x1ca: {  	s0 =	sadd.s32 @!p0 $0x100000, s0;
	[bflag:$0x2] =	sbarrier.arrive $0xFFFF  }
0x1cb: {  	[sflag:s0] =	ssyncadd.tile.s32 @!p0 $0x1;
	_ =	shalt  }
.Lfunc_end2:
_tile_overlayer_lowered:
.L_overlay_start_2:
0x1cc: {  	(tag) =	ssettag $0x2  }
0x1cd: {  	s0 =	rddreg [dreg:$0x0];
	s2 =	stileid.u32  }
0x1ce: {  	s1 =	rddreg [dreg:$0x1];
	p0 =	sne.s32 s2, $0x0  }
0x1cf: {  	s3 =	rddreg [dreg:$0x2];
	[bflag:$0x3] =	sbarrier.arrive $0xFFFF;
	s2 =	simm.s32 @!p0 $0x1C02  }
0x1d0: {  	[timem:s3], [sflag:s2] =	dma.local @!p0 [hbm:s0], s1  }
0x1d1: {  	s0 =	simm.s32 @!p0 $0x2  }
0x1d2: {  	_ =	swait.ge @!p0 [sflag:s0], s1  }
0x1d3: {  	s1 =	ssub.s32 @!p0 $0x0, s1;
	[sflag:s0] =	ssyncset.done @!p0 $0x0  }
0x1d4: {  	[sflag:s0] =	ssyncadd.s32 @!p0 s1  }
0x1d5: {  	[bflag:$0x3] =	sbarrier.arrive $0xFFFF  }
0x1d6: {  	_ =	shalt  }

</sc_bundles>
